<compile_context>
chip_gen: v7x
topology: tpu7x:2x2x1
jax: 0.10.2.dev20260603
libtpu: 0.0.44.dev20260713+nightly
codegen_flags: <defaults>
</compile_context>

<pallas_src>
import functools

import jax
import jax.numpy as jnp
from jax import lax
from jax.experimental import pallas as pl
from jax.experimental.pallas import tpu as pltpu
from jax.experimental.pallas import tpu_sc as plsc

N = 16384
M = 2048
E = 256
K8 = 8
MB = 256
NB = 2048
GI = M // MB
GJ = N // NB

_INF = float("inf")
_BIGF = 3e38


def _topk_body(ye_ref, xe_ref, idx_ref, idxt_ref, sk2_ref, cand_v, cand_i,
               ysq_s, xsq_s):
    i = pl.program_id(0)
    j = pl.program_id(1)
    ye = ye_ref[...]
    xe = xe_ref[...]

    @pl.when(j == 0)
    def _():
        ysq_s[...] = jnp.sum(ye * ye, axis=1)

    @pl.when(i == 0)
    def _():
        xsq_s[j] = jnp.sum(xe * xe, axis=1)

    ysq = ysq_s[...]
    xsq = xsq_s[j]
    dot = lax.dot_general(ye, xe, (((1,), (1,)), ((), ())),
                          preferred_element_type=jnp.float32)
    d = -2.0 * dot + ysq[:, None] + xsq[None, :]

    colf = lax.broadcasted_iota(jnp.int32, (MB, NB), 1).astype(jnp.float32)
    jbase = (j * NB).astype(jnp.float32)
    bv, bi = [], []
    work = d
    for _ in range(K8):
        mval = jnp.min(work, axis=1)
        posmat = jnp.where(work == mval[:, None], colf, _BIGF)
        posf = jnp.min(posmat, axis=1)
        bv.append(mval)
        bi.append(posf + jbase)
        work = jnp.where(posmat == posf[:, None], _INF, work)
    cand_v[j] = jnp.stack(bv, axis=0)
    cand_i[j] = jnp.stack(bi, axis=0)

    @pl.when(j == GJ - 1)
    def _():
        cv = cand_v[...]
        ci = cand_i[...]
        mv2, mi2 = [], []
        for _ in range(K8):
            mval = jnp.min(jnp.min(cv, axis=0), axis=0)
            hit = cv == mval[None, None, :]
            sidx = jnp.min(jnp.min(jnp.where(hit, ci, _BIGF), axis=0),
                           axis=0)
            mv2.append(mval)
            mi2.append(sidx)
            cv = jnp.where(ci == sidx[None, None, :], _INF, cv)
        idx_ref[...] = jnp.stack(mi2, axis=1).astype(jnp.int32)
        mi_s = jnp.stack(mi2, axis=0)
        idxt_ref[...] = mi_s.astype(jnp.int32)
        sexp_t = jnp.exp(-(jnp.stack(mv2, axis=0) / 10.0))
        sk2_ref[:, 0, :] = sexp_t
        sk2_ref[:, 1, :] = sexp_t


_topk_call = pl.pallas_call(
    _topk_body,
    grid=(GI, GJ),
    in_specs=[
        pl.BlockSpec((MB, E), lambda i, j: (i, 0)),
        pl.BlockSpec((NB, E), lambda i, j: (j, 0)),
    ],
    out_specs=[
        pl.BlockSpec((MB, K8), lambda i, j: (i, 0)),
        pl.BlockSpec((K8, MB), lambda i, j: (0, i)),
        pl.BlockSpec((K8, 2, MB), lambda i, j: (0, 0, i)),
    ],
    out_shape=[
        jax.ShapeDtypeStruct((M, K8), jnp.int32),
        jax.ShapeDtypeStruct((K8, M), jnp.int32),
        jax.ShapeDtypeStruct((K8, 2, M), jnp.float32),
    ],
    scratch_shapes=[
        pltpu.VMEM((GJ, K8, MB), jnp.float32),
        pltpu.VMEM((GJ, K8, MB), jnp.float32),
        pltpu.VMEM((MB,), jnp.float32),
        pltpu.VMEM((GJ, NB), jnp.float32),
    ],
    compiler_params=pltpu.CompilerParams(
        dimension_semantics=("arbitrary", "arbitrary")),
)


_ROWS_PER_W = (M * K8) // 32
_CH = 128
_NCH = _ROWS_PER_W // _CH

@functools.cache
def _make_gather_rows():
    mesh = plsc.VectorSubcoreMesh(core_axis_name="c", subcore_axis_name="s")

    @functools.partial(
        pl.kernel,
        mesh=mesh,
        out_type=jax.ShapeDtypeStruct((M * K8, E), jnp.float32),
        scratch_types=[
            pltpu.VMEM((_NCH, _CH), jnp.int32),
            pltpu.VMEM((2, _CH, E), jnp.float32),
            pltpu.SemaphoreType.DMA,
            pltpu.SemaphoreType.DMA,
            pltpu.SemaphoreType.DMA,
            pltpu.SemaphoreType.DMA,
        ],
    )
    def _gather_rows(table_hbm, idx_hbm, out_hbm, idx_v, rows_v,
                     sg0, sg1, sw0, sw1):
        wid = lax.axis_index("s") * 2 + lax.axis_index("c")
        base = wid * _ROWS_PER_W
        sg = [sg0, sg1]
        sw = [sw0, sw1]
        pltpu.sync_copy(idx_hbm.at[pl.ds(wid * _NCH, _NCH)], idx_v)
        gathers = [None, None]
        writes = [None, None]
        gathers[0] = pltpu.async_copy(table_hbm.at[idx_v.at[0]],
                                      rows_v.at[0], sg[0])
        for c in range(_NCH):
            b = c % 2
            nb = (c + 1) % 2
            if c + 1 < _NCH:
                if writes[nb] is not None:
                    writes[nb].wait()
                gathers[nb] = pltpu.async_copy(table_hbm.at[idx_v.at[c + 1]],
                                               rows_v.at[nb], sg[nb])
            gathers[b].wait()
            writes[b] = pltpu.async_copy(
                rows_v.at[b], out_hbm.at[pl.ds(base + c * _CH, _CH)], sw[b])
        for w in writes:
            if w is not None:
                w.wait()

    return _gather_rows


def _diff_body(ye_ref, g_ref, out_ref):
    ye = ye_ref[...]
    for kk in range(K8):
        d = jnp.abs(ye - g_ref[kk])
        dt = jnp.transpose(d)
        out_ref[pl.ds(kk * E, E), :, :] = jnp.broadcast_to(
            dt[:, None, :], (E, 2, MB))


_diff_call = pl.pallas_call(
    _diff_body,
    grid=(GI,),
    in_specs=[
        pl.BlockSpec((MB, E), lambda i: (i, 0)),
        pl.BlockSpec((K8, MB, E), lambda i: (0, i, 0)),
    ],
    out_specs=pl.BlockSpec((K8 * E, 2, MB), lambda i: (0, 0, i)),
    out_shape=jax.ShapeDtypeStruct((K8 * E, 2, M), jnp.float32),
)


def kernel(xe_patch, ye_patch):
    idx2, idx_t, sk2 = _topk_call(ye_patch, xe_patch)
    g = _make_gather_rows()(xe_patch,
                            idx_t.reshape(M * K8 // _CH, _CH))
    dp3 = _diff_call(ye_patch, g.reshape(K8, M, E))
    return (sk2.reshape(1, K8, 2 * M), idx2[None],
            dp3.reshape(1, K8 * E, 2 * M))

# --- scband reference (transcript-rebuilt; emitter-appended) ---
"""Pipeline reference for scband-graph-construct-74285754351628 (READ-ONLY COPY).

The authoritative reference and input builder live on the scoring server;
editing this copy changes nothing except your own understanding.
"""

import jax, jax.numpy as jnp
import numpy as np

K = 8
SCALE = 2


def setup_inputs(seed: int = 0) -> dict:
    key = jax.random.key(seed)
    k1, k2 = jax.random.split(key)
    xe_patch = jax.random.normal(k1, (16384, 256), dtype=jnp.float32)
    ye_patch = jax.random.normal(k2, (2048, 256), dtype=jnp.float32)
    return {"xe_patch": xe_patch, "ye_patch": ye_patch}


def reference(xe_patch, ye_patch):
    k = K
    scale = SCALE
    xe = xe_patch[None]  # [1, n, e]
    ye = ye_patch[None]  # [1, m, e]
    b, n, e = xe.shape
    m = ye.shape[1]
    ce = e
    # euclidean_distance(ye, xe^T)
    D = -2.0 * jnp.matmul(ye, jnp.transpose(xe, (0, 2, 1)))  # [b, m, n]
    D = D + jnp.sum(ye ** 2, axis=-1, keepdims=True)
    D = D + jnp.sum(xe ** 2, axis=-1)[:, None, :]
    # hard_knn: smallest k -> topk of -D
    neg_vals, idx_k = jax.lax.top_k(-D, k)  # [b, m, k]
    score_k = -neg_vals
    # gather neighbors: xe[0][idx_k[0]] -> [m, k, e]
    g = jnp.take(xe[0], idx_k[0], axis=0)
    g = jnp.transpose(g, (0, 2, 1))[None]  # [1, m, e, k]
    diff_patch = ye[:, :, :, None] - g  # [b, m, e, k]
    score_k = jnp.exp(-score_k / 10.0)
    # diff_patch post-processing
    dp = jnp.abs(diff_patch)[:, :, :, None, :]  # [b, m, ce, 1, k]
    dp = jnp.sum(dp, axis=3, keepdims=True)  # identity (singleton dim)
    dp = jnp.broadcast_to(dp, (b, m, ce, scale, k))
    dp = jnp.transpose(dp, (0, 4, 2, 3, 1))  # [b, k, ce, scale, m]
    dp = dp.reshape(b, k * ce, scale * m)
    # score post-processing
    sk = jnp.transpose(score_k, (0, 2, 1))[:, :, None, :]  # [b, k, 1, m]
    sk = jnp.broadcast_to(sk, (b, k, scale, m)).reshape(b, k, scale * m)
    return (sk, idx_k, dp)

if __name__ == "__main__":
    import jax
    _d = setup_inputs()
    print(jax.jit(kernel)(*tuple(_d.values())))

</pallas_src>

<mosaic_0001>
#map = affine_map<(d0, d1) -> (0, 0)>
module attributes {stable_mosaic.version = 14 : i64} {
  func.func @_gather_rows(%arg0: i32, %arg1: i32, %arg2: memref<16384x256xf32, #tpu.memory_space<hbm>>, %arg3: memref<128x128xi32, #tpu.memory_space<hbm>>, %arg4: memref<16384x256xf32, #tpu.memory_space<hbm>>, %arg5: memref<4x128xi32, #tpu.memory_space<vmem>>, %arg6: memref<2x128x256xf32, #tpu.memory_space<vmem>>, %arg7: memref<!tpu.dma_semaphore, #tpu.memory_space<semaphore_mem>>, %arg8: memref<!tpu.dma_semaphore, #tpu.memory_space<semaphore_mem>>, %arg9: memref<!tpu.dma_semaphore, #tpu.memory_space<semaphore_mem>>, %arg10: memref<!tpu.dma_semaphore, #tpu.memory_space<semaphore_mem>>) attributes {dimension_semantics = [#tpu.dimension_semantics<core_parallel>, #tpu.dimension_semantics<subcore_parallel>], iteration_bounds = array<i64: 2, 16>, scalar_prefetch = 0 : i64, scratch_operands = 6 : i64, tpu.core_type = #tpu.core_type<sc_vector_subcore>, window_params = [{transform_indices = #map}, {transform_indices = #map}, {transform_indices = #map}]} {
    %mul3A = arith.constant 2 : i32
    %mul3A_0 = arith.muli %arg1, %mul3A : i32
    %add3A = arith.addi %mul3A_0, %arg0 : i32
    %mul3A_1 = arith.constant 512 : i32
    %mul3A_2 = arith.muli %add3A, %mul3A_1 : i32
    %mul3A_3 = arith.constant 4 : i32
    %mul3A_4 = arith.muli %add3A, %mul3A_3 : i32
    "tpu.region"() ({
      %run_scoped3A = tpu.sem_alloc : memref<!tpu.dma_semaphore, #tpu.memory_space<semaphore_mem>>
      %dma_start3A_211 = arith.constant 0 : i32
      %dma_start3A_212 = tpu.memref_slice %arg3[%mul3A_4, %dma_start3A_211] : memref<128x128xi32, #tpu.memory_space<hbm>> -> memref<4x128xi32, #tpu.memory_space<hbm>>
      %dma_start3A_213 = arith.constant 0 : i32
      %dma_start3A_214 = tpu.memref_slice %arg3[%mul3A_4, %dma_start3A_213] : memref<128x128xi32, #tpu.memory_space<hbm>> -> memref<4x128xi32, #tpu.memory_space<hbm>>
      tpu.enqueue_dma source(%dma_start3A_214 : memref<4x128xi32, #tpu.memory_space<hbm>>) target(%arg5 : memref<4x128xi32, #tpu.memory_space<vmem>>) target_semaphore(%run_scoped3A : memref<!tpu.dma_semaphore, #tpu.memory_space<semaphore_mem>>)
      %dma_wait3A_215 = arith.constant 0 : i32
      %dma_wait3A_216 = tpu.memref_slice %arg3[%mul3A_4, %dma_wait3A_215] : memref<128x128xi32, #tpu.memory_space<hbm>> -> memref<4x128xi32, #tpu.memory_space<hbm>>
      %dma_wait3A_217 = arith.constant 0 : i32
      %dma_wait3A_218 = tpu.memref_slice %arg3[%mul3A_4, %dma_wait3A_217] : memref<128x128xi32, #tpu.memory_space<hbm>> -> memref<4x128xi32, #tpu.memory_space<hbm>>
      tpu.wait_dma2 semaphore(%run_scoped3A : memref<!tpu.dma_semaphore, #tpu.memory_space<semaphore_mem>>) src(%dma_wait3A_218 : memref<4x128xi32, #tpu.memory_space<hbm>>) dst(%arg5 : memref<4x128xi32, #tpu.memory_space<vmem>>)
      tpu.yield
    }) : () -> ()
    %dma_start3A = arith.constant 0 : i32
    %dma_start3A_5 = arith.constant 0 : i32
    %dma_start3A_6 = arith.constant 0 : i32
    %dma_start3A_7 = arith.constant 0 : i32
    %dma_start3A_8 = tpu.memref_slice %arg6[%dma_start3A_5, %dma_start3A_6, %dma_start3A_7] : memref<2x128x256xf32, #tpu.memory_space<vmem>> -> memref<1x128x256xf32, #tpu.memory_space<vmem>>
    %dma_start3A_9 = tpu.memref_squeeze %dma_start3A_8 : memref<1x128x256xf32, #tpu.memory_space<vmem>> -> memref<128x256xf32, #tpu.memory_space<vmem>>
    %dma_start3A_10 = arith.constant 0 : i32
    %dma_start3A_11 = tpu.memref_slice %arg5[%dma_start3A, %dma_start3A_10] : memref<4x128xi32, #tpu.memory_space<vmem>> -> memref<1x128xi32, #tpu.memory_space<vmem>>
    %dma_start3A_12 = tpu.memref_squeeze %dma_start3A_11 : memref<1x128xi32, #tpu.memory_space<vmem>> -> memref<128xi32, #tpu.memory_space<vmem>>
    %dma_start3A_13 = arith.constant 0 : i32
    %dma_start3A_14 = arith.constant 0 : i32
    %dma_start3A_15 = tpu.memref_slice %arg2[%dma_start3A_13, %dma_start3A_14] : memref<16384x256xf32, #tpu.memory_space<hbm>> -> memref<16384x256xf32, #tpu.memory_space<hbm>>
    tpu.enqueue_indirect_dma source(%dma_start3A_15 : memref<16384x256xf32, #tpu.memory_space<hbm>>) target(%dma_start3A_9 : memref<128x256xf32, #tpu.memory_space<vmem>>) offsets(%dma_start3A_12 : memref<128xi32, #tpu.memory_space<vmem>>) semaphore(%arg7 : memref<!tpu.dma_semaphore, #tpu.memory_space<semaphore_mem>>)
    %dma_start3A_16 = arith.constant 1 : i32
    %dma_start3A_17 = arith.constant 1 : i32
    %dma_start3A_18 = arith.constant 0 : i32
    %dma_start3A_19 = arith.constant 0 : i32
    %dma_start3A_20 = tpu.memref_slice %arg6[%dma_start3A_17, %dma_start3A_18, %dma_start3A_19] : memref<2x128x256xf32, #tpu.memory_space<vmem>> -> memref<1x128x256xf32, #tpu.memory_space<vmem>>
    %dma_start3A_21 = tpu.memref_squeeze %dma_start3A_20 : memref<1x128x256xf32, #tpu.memory_space<vmem>> -> memref<128x256xf32, #tpu.memory_space<vmem>>
    %dma_start3A_22 = arith.constant 0 : i32
    %dma_start3A_23 = tpu.memref_slice %arg5[%dma_start3A_16, %dma_start3A_22] : memref<4x128xi32, #tpu.memory_space<vmem>> -> memref<1x128xi32, #tpu.memory_space<vmem>>
    %dma_start3A_24 = tpu.memref_squeeze %dma_start3A_23 : memref<1x128xi32, #tpu.memory_space<vmem>> -> memref<128xi32, #tpu.memory_space<vmem>>
    %dma_start3A_25 = arith.constant 0 : i32
    %dma_start3A_26 = arith.constant 0 : i32
    %dma_start3A_27 = tpu.memref_slice %arg2[%dma_start3A_25, %dma_start3A_26] : memref<16384x256xf32, #tpu.memory_space<hbm>> -> memref<16384x256xf32, #tpu.memory_space<hbm>>
    tpu.enqueue_indirect_dma source(%dma_start3A_27 : memref<16384x256xf32, #tpu.memory_space<hbm>>) target(%dma_start3A_21 : memref<128x256xf32, #tpu.memory_space<vmem>>) offsets(%dma_start3A_24 : memref<128xi32, #tpu.memory_space<vmem>>) semaphore(%arg8 : memref<!tpu.dma_semaphore, #tpu.memory_space<semaphore_mem>>)
    %dma_wait3A = arith.constant 0 : i32
    %dma_wait3A_28 = arith.constant 0 : i32
    %dma_wait3A_29 = arith.constant 0 : i32
    %dma_wait3A_30 = arith.constant 0 : i32
    %dma_wait3A_31 = tpu.memref_slice %arg6[%dma_wait3A_28, %dma_wait3A_29, %dma_wait3A_30] : memref<2x128x256xf32, #tpu.memory_space<vmem>> -> memref<1x128x256xf32, #tpu.memory_space<vmem>>
    %dma_wait3A_32 = tpu.memref_squeeze %dma_wait3A_31 : memref<1x128x256xf32, #tpu.memory_space<vmem>> -> memref<128x256xf32, #tpu.memory_space<vmem>>
    %dma_wait3A_33 = arith.constant 0 : i32
    %dma_wait3A_34 = tpu.memref_slice %arg5[%dma_wait3A, %dma_wait3A_33] : memref<4x128xi32, #tpu.memory_space<vmem>> -> memref<1x128xi32, #tpu.memory_space<vmem>>
    %dma_wait3A_35 = tpu.memref_squeeze %dma_wait3A_34 : memref<1x128xi32, #tpu.memory_space<vmem>> -> memref<128xi32, #tpu.memory_space<vmem>>
    %dma_wait3A_36 = arith.constant 0 : i32
    %dma_wait3A_37 = arith.constant 0 : i32
    %dma_wait3A_38 = tpu.memref_slice %arg2[%dma_wait3A_36, %dma_wait3A_37] : memref<16384x256xf32, #tpu.memory_space<hbm>> -> memref<16384x256xf32, #tpu.memory_space<hbm>>
    tpu.wait_indirect_dma semaphore(%arg7 : memref<!tpu.dma_semaphore, #tpu.memory_space<semaphore_mem>>) src(%dma_wait3A_38 : memref<16384x256xf32, #tpu.memory_space<hbm>>) dst(%dma_wait3A_32 : memref<128x256xf32, #tpu.memory_space<vmem>>)
    %add3A_39 = arith.constant 0 : i32
    %add3A_40 = arith.addi %mul3A_2, %add3A_39 : i32
    %dma_start3A_41 = arith.constant 0 : i32
    %dma_start3A_42 = arith.constant 0 : i32
    %dma_start3A_43 = arith.constant 0 : i32
    %dma_start3A_44 = tpu.memref_slice %arg6[%dma_start3A_41, %dma_start3A_42, %dma_start3A_43] : memref<2x128x256xf32, #tpu.memory_space<vmem>> -> memref<1x128x256xf32, #tpu.memory_space<vmem>>
    %dma_start3A_45 = tpu.memref_squeeze %dma_start3A_44 : memref<1x128x256xf32, #tpu.memory_space<vmem>> -> memref<128x256xf32, #tpu.memory_space<vmem>>
    %dma_start3A_46 = arith.constant 0 : i32
    %dma_start3A_47 = tpu.memref_slice %arg4[%add3A_40, %dma_start3A_46] : memref<16384x256xf32, #tpu.memory_space<hbm>> -> memref<128x256xf32, #tpu.memory_space<hbm>>
    %dma_start3A_48 = arith.constant 0 : i32
    %dma_start3A_49 = tpu.memref_slice %arg4[%add3A_40, %dma_start3A_48] : memref<16384x256xf32, #tpu.memory_space<hbm>> -> memref<128x256xf32, #tpu.memory_space<hbm>>
    %dma_start3A_50 = arith.constant 0 : i32
    %dma_start3A_51 = arith.constant 0 : i32
    %dma_start3A_52 = tpu.memref_slice %arg6[%dma_start3A_41, %dma_start3A_50, %dma_start3A_51] : memref<2x128x256xf32, #tpu.memory_space<vmem>> -> memref<1x128x256xf32, #tpu.memory_space<vmem>>
    %dma_start3A_53 = tpu.memref_squeeze %dma_start3A_52 : memref<1x128x256xf32, #tpu.memory_space<vmem>> -> memref<128x256xf32, #tpu.memory_space<vmem>>
    tpu.enqueue_dma source(%dma_start3A_53 : memref<128x256xf32, #tpu.memory_space<vmem>>) target(%dma_start3A_49 : memref<128x256xf32, #tpu.memory_space<hbm>>) target_semaphore(%arg9 : memref<!tpu.dma_semaphore, #tpu.memory_space<semaphore_mem>>)
    %dma_wait3A_54 = arith.constant 0 : i32
    %dma_wait3A_55 = arith.constant 0 : i32
    %dma_wait3A_56 = arith.constant 0 : i32
    %dma_wait3A_57 = tpu.memref_slice %arg6[%dma_wait3A_54, %dma_wait3A_55, %dma_wait3A_56] : memref<2x128x256xf32, #tpu.memory_space<vmem>> -> memref<1x128x256xf32, #tpu.memory_space<vmem>>
    %dma_wait3A_58 = tpu.memref_squeeze %dma_wait3A_57 : memref<1x128x256xf32, #tpu.memory_space<vmem>> -> memref<128x256xf32, #tpu.memory_space<vmem>>
    %dma_wait3A_59 = arith.constant 0 : i32
    %dma_wait3A_60 = tpu.memref_slice %arg4[%add3A_40, %dma_wait3A_59] : memref<16384x256xf32, #tpu.memory_space<hbm>> -> memref<128x256xf32, #tpu.memory_space<hbm>>
    %dma_wait3A_61 = arith.constant 0 : i32
    %dma_wait3A_62 = tpu.memref_slice %arg4[%add3A_40, %dma_wait3A_61] : memref<16384x256xf32, #tpu.memory_space<hbm>> -> memref<128x256xf32, #tpu.memory_space<hbm>>
    %dma_wait3A_63 = arith.constant 0 : i32
    %dma_wait3A_64 = arith.constant 0 : i32
    %dma_wait3A_65 = tpu.memref_slice %arg6[%dma_wait3A_54, %dma_wait3A_63, %dma_wait3A_64] : memref<2x128x256xf32, #tpu.memory_space<vmem>> -> memref<1x128x256xf32, #tpu.memory_space<vmem>>
    %dma_wait3A_66 = tpu.memref_squeeze %dma_wait3A_65 : memref<1x128x256xf32, #tpu.memory_space<vmem>> -> memref<128x256xf32, #tpu.memory_space<vmem>>
    tpu.wait_dma2 semaphore(%arg9 : memref<!tpu.dma_semaphore, #tpu.memory_space<semaphore_mem>>) src(%dma_wait3A_66 : memref<128x256xf32, #tpu.memory_space<vmem>>) dst(%dma_wait3A_62 : memref<128x256xf32, #tpu.memory_space<hbm>>)
    %dma_start3A_67 = arith.constant 2 : i32
    %dma_start3A_68 = arith.constant 0 : i32
    %dma_start3A_69 = arith.constant 0 : i32
    %dma_start3A_70 = arith.constant 0 : i32
    %dma_start3A_71 = tpu.memref_slice %arg6[%dma_start3A_68, %dma_start3A_69, %dma_start3A_70] : memref<2x128x256xf32, #tpu.memory_space<vmem>> -> memref<1x128x256xf32, #tpu.memory_space<vmem>>
    %dma_start3A_72 = tpu.memref_squeeze %dma_start3A_71 : memref<1x128x256xf32, #tpu.memory_space<vmem>> -> memref<128x256xf32, #tpu.memory_space<vmem>>
    %dma_start3A_73 = arith.constant 0 : i32
    %dma_start3A_74 = tpu.memref_slice %arg5[%dma_start3A_67, %dma_start3A_73] : memref<4x128xi32, #tpu.memory_space<vmem>> -> memref<1x128xi32, #tpu.memory_space<vmem>>
    %dma_start3A_75 = tpu.memref_squeeze %dma_start3A_74 : memref<1x128xi32, #tpu.memory_space<vmem>> -> memref<128xi32, #tpu.memory_space<vmem>>
    %dma_start3A_76 = arith.constant 0 : i32
    %dma_start3A_77 = arith.constant 0 : i32
    %dma_start3A_78 = tpu.memref_slice %arg2[%dma_start3A_76, %dma_start3A_77] : memref<16384x256xf32, #tpu.memory_space<hbm>> -> memref<16384x256xf32, #tpu.memory_space<hbm>>
    tpu.enqueue_indirect_dma source(%dma_start3A_78 : memref<16384x256xf32, #tpu.memory_space<hbm>>) target(%dma_start3A_72 : memref<128x256xf32, #tpu.memory_space<vmem>>) offsets(%dma_start3A_75 : memref<128xi32, #tpu.memory_space<vmem>>) semaphore(%arg7 : memref<!tpu.dma_semaphore, #tpu.memory_space<semaphore_mem>>)
    %dma_wait3A_79 = arith.constant 1 : i32
    %dma_wait3A_80 = arith.constant 1 : i32
    %dma_wait3A_81 = arith.constant 0 : i32
    %dma_wait3A_82 = arith.constant 0 : i32
    %dma_wait3A_83 = tpu.memref_slice %arg6[%dma_wait3A_80, %dma_wait3A_81, %dma_wait3A_82] : memref<2x128x256xf32, #tpu.memory_space<vmem>> -> memref<1x128x256xf32, #tpu.memory_space<vmem>>
    %dma_wait3A_84 = tpu.memref_squeeze %dma_wait3A_83 : memref<1x128x256xf32, #tpu.memory_space<vmem>> -> memref<128x256xf32, #tpu.memory_space<vmem>>
    %dma_wait3A_85 = arith.constant 0 : i32
    %dma_wait3A_86 = tpu.memref_slice %arg5[%dma_wait3A_79, %dma_wait3A_85] : memref<4x128xi32, #tpu.memory_space<vmem>> -> memref<1x128xi32, #tpu.memory_space<vmem>>
    %dma_wait3A_87 = tpu.memref_squeeze %dma_wait3A_86 : memref<1x128xi32, #tpu.memory_space<vmem>> -> memref<128xi32, #tpu.memory_space<vmem>>
    %dma_wait3A_88 = arith.constant 0 : i32
    %dma_wait3A_89 = arith.constant 0 : i32
    %dma_wait3A_90 = tpu.memref_slice %arg2[%dma_wait3A_88, %dma_wait3A_89] : memref<16384x256xf32, #tpu.memory_space<hbm>> -> memref<16384x256xf32, #tpu.memory_space<hbm>>
    tpu.wait_indirect_dma semaphore(%arg8 : memref<!tpu.dma_semaphore, #tpu.memory_space<semaphore_mem>>) src(%dma_wait3A_90 : memref<16384x256xf32, #tpu.memory_space<hbm>>) dst(%dma_wait3A_84 : memref<128x256xf32, #tpu.memory_space<vmem>>)
    %add3A_91 = arith.constant 128 : i32
    %add3A_92 = arith.addi %mul3A_2, %add3A_91 : i32
    %dma_start3A_93 = arith.constant 1 : i32
    %dma_start3A_94 = arith.constant 0 : i32
    %dma_start3A_95 = arith.constant 0 : i32
    %dma_start3A_96 = tpu.memref_slice %arg6[%dma_start3A_93, %dma_start3A_94, %dma_start3A_95] : memref<2x128x256xf32, #tpu.memory_space<vmem>> -> memref<1x128x256xf32, #tpu.memory_space<vmem>>
    %dma_start3A_97 = tpu.memref_squeeze %dma_start3A_96 : memref<1x128x256xf32, #tpu.memory_space<vmem>> -> memref<128x256xf32, #tpu.memory_space<vmem>>
    %dma_start3A_98 = arith.constant 0 : i32
    %dma_start3A_99 = tpu.memref_slice %arg4[%add3A_92, %dma_start3A_98] : memref<16384x256xf32, #tpu.memory_space<hbm>> -> memref<128x256xf32, #tpu.memory_space<hbm>>
    %dma_start3A_100 = arith.constant 0 : i32
    %dma_start3A_101 = tpu.memref_slice %arg4[%add3A_92, %dma_start3A_100] : memref<16384x256xf32, #tpu.memory_space<hbm>> -> memref<128x256xf32, #tpu.memory_space<hbm>>
    %dma_start3A_102 = arith.constant 0 : i32
    %dma_start3A_103 = arith.constant 0 : i32
    %dma_start3A_104 = tpu.memref_slice %arg6[%dma_start3A_93, %dma_start3A_102, %dma_start3A_103] : memref<2x128x256xf32, #tpu.memory_space<vmem>> -> memref<1x128x256xf32, #tpu.memory_space<vmem>>
    %dma_start3A_105 = tpu.memref_squeeze %dma_start3A_104 : memref<1x128x256xf32, #tpu.memory_space<vmem>> -> memref<128x256xf32, #tpu.memory_space<vmem>>
    tpu.enqueue_dma source(%dma_start3A_105 : memref<128x256xf32, #tpu.memory_space<vmem>>) target(%dma_start3A_101 : memref<128x256xf32, #tpu.memory_space<hbm>>) target_semaphore(%arg10 : memref<!tpu.dma_semaphore, #tpu.memory_space<semaphore_mem>>)
    %dma_wait3A_106 = arith.constant 1 : i32
    %dma_wait3A_107 = arith.constant 0 : i32
    %dma_wait3A_108 = arith.constant 0 : i32
    %dma_wait3A_109 = tpu.memref_slice %arg6[%dma_wait3A_106, %dma_wait3A_107, %dma_wait3A_108] : memref<2x128x256xf32, #tpu.memory_space<vmem>> -> memref<1x128x256xf32, #tpu.memory_space<vmem>>
    %dma_wait3A_110 = tpu.memref_squeeze %dma_wait3A_109 : memref<1x128x256xf32, #tpu.memory_space<vmem>> -> memref<128x256xf32, #tpu.memory_space<vmem>>
    %dma_wait3A_111 = arith.constant 0 : i32
    %dma_wait3A_112 = tpu.memref_slice %arg4[%add3A_92, %dma_wait3A_111] : memref<16384x256xf32, #tpu.memory_space<hbm>> -> memref<128x256xf32, #tpu.memory_space<hbm>>
    %dma_wait3A_113 = arith.constant 0 : i32
    %dma_wait3A_114 = tpu.memref_slice %arg4[%add3A_92, %dma_wait3A_113] : memref<16384x256xf32, #tpu.memory_space<hbm>> -> memref<128x256xf32, #tpu.memory_space<hbm>>
    %dma_wait3A_115 = arith.constant 0 : i32
    %dma_wait3A_116 = arith.constant 0 : i32
    %dma_wait3A_117 = tpu.memref_slice %arg6[%dma_wait3A_106, %dma_wait3A_115, %dma_wait3A_116] : memref<2x128x256xf32, #tpu.memory_space<vmem>> -> memref<1x128x256xf32, #tpu.memory_space<vmem>>
    %dma_wait3A_118 = tpu.memref_squeeze %dma_wait3A_117 : memref<1x128x256xf32, #tpu.memory_space<vmem>> -> memref<128x256xf32, #tpu.memory_space<vmem>>
    tpu.wait_dma2 semaphore(%arg10 : memref<!tpu.dma_semaphore, #tpu.memory_space<semaphore_mem>>) src(%dma_wait3A_118 : memref<128x256xf32, #tpu.memory_space<vmem>>) dst(%dma_wait3A_114 : memref<128x256xf32, #tpu.memory_space<hbm>>)
    %dma_start3A_119 = arith.constant 3 : i32
    %dma_start3A_120 = arith.constant 1 : i32
    %dma_start3A_121 = arith.constant 0 : i32
    %dma_start3A_122 = arith.constant 0 : i32
    %dma_start3A_123 = tpu.memref_slice %arg6[%dma_start3A_120, %dma_start3A_121, %dma_start3A_122] : memref<2x128x256xf32, #tpu.memory_space<vmem>> -> memref<1x128x256xf32, #tpu.memory_space<vmem>>
    %dma_start3A_124 = tpu.memref_squeeze %dma_start3A_123 : memref<1x128x256xf32, #tpu.memory_space<vmem>> -> memref<128x256xf32, #tpu.memory_space<vmem>>
    %dma_start3A_125 = arith.constant 0 : i32
    %dma_start3A_126 = tpu.memref_slice %arg5[%dma_start3A_119, %dma_start3A_125] : memref<4x128xi32, #tpu.memory_space<vmem>> -> memref<1x128xi32, #tpu.memory_space<vmem>>
    %dma_start3A_127 = tpu.memref_squeeze %dma_start3A_126 : memref<1x128xi32, #tpu.memory_space<vmem>> -> memref<128xi32, #tpu.memory_space<vmem>>
    %dma_start3A_128 = arith.constant 0 : i32
    %dma_start3A_129 = arith.constant 0 : i32
    %dma_start3A_130 = tpu.memref_slice %arg2[%dma_start3A_128, %dma_start3A_129] : memref<16384x256xf32, #tpu.memory_space<hbm>> -> memref<16384x256xf32, #tpu.memory_space<hbm>>
    tpu.enqueue_indirect_dma source(%dma_start3A_130 : memref<16384x256xf32, #tpu.memory_space<hbm>>) target(%dma_start3A_124 : memref<128x256xf32, #tpu.memory_space<vmem>>) offsets(%dma_start3A_127 : memref<128xi32, #tpu.memory_space<vmem>>) semaphore(%arg8 : memref<!tpu.dma_semaphore, #tpu.memory_space<semaphore_mem>>)
    %dma_wait3A_131 = arith.constant 2 : i32
    %dma_wait3A_132 = arith.constant 0 : i32
    %dma_wait3A_133 = arith.constant 0 : i32
    %dma_wait3A_134 = arith.constant 0 : i32
    %dma_wait3A_135 = tpu.memref_slice %arg6[%dma_wait3A_132, %dma_wait3A_133, %dma_wait3A_134] : memref<2x128x256xf32, #tpu.memory_space<vmem>> -> memref<1x128x256xf32, #tpu.memory_space<vmem>>
    %dma_wait3A_136 = tpu.memref_squeeze %dma_wait3A_135 : memref<1x128x256xf32, #tpu.memory_space<vmem>> -> memref<128x256xf32, #tpu.memory_space<vmem>>
    %dma_wait3A_137 = arith.constant 0 : i32
    %dma_wait3A_138 = tpu.memref_slice %arg5[%dma_wait3A_131, %dma_wait3A_137] : memref<4x128xi32, #tpu.memory_space<vmem>> -> memref<1x128xi32, #tpu.memory_space<vmem>>
    %dma_wait3A_139 = tpu.memref_squeeze %dma_wait3A_138 : memref<1x128xi32, #tpu.memory_space<vmem>> -> memref<128xi32, #tpu.memory_space<vmem>>
    %dma_wait3A_140 = arith.constant 0 : i32
    %dma_wait3A_141 = arith.constant 0 : i32
    %dma_wait3A_142 = tpu.memref_slice %arg2[%dma_wait3A_140, %dma_wait3A_141] : memref<16384x256xf32, #tpu.memory_space<hbm>> -> memref<16384x256xf32, #tpu.memory_space<hbm>>
    tpu.wait_indirect_dma semaphore(%arg7 : memref<!tpu.dma_semaphore, #tpu.memory_space<semaphore_mem>>) src(%dma_wait3A_142 : memref<16384x256xf32, #tpu.memory_space<hbm>>) dst(%dma_wait3A_136 : memref<128x256xf32, #tpu.memory_space<vmem>>)
    %add3A_143 = arith.constant 256 : i32
    %add3A_144 = arith.addi %mul3A_2, %add3A_143 : i32
    %dma_start3A_145 = arith.constant 0 : i32
    %dma_start3A_146 = arith.constant 0 : i32
    %dma_start3A_147 = arith.constant 0 : i32
    %dma_start3A_148 = tpu.memref_slice %arg6[%dma_start3A_145, %dma_start3A_146, %dma_start3A_147] : memref<2x128x256xf32, #tpu.memory_space<vmem>> -> memref<1x128x256xf32, #tpu.memory_space<vmem>>
    %dma_start3A_149 = tpu.memref_squeeze %dma_start3A_148 : memref<1x128x256xf32, #tpu.memory_space<vmem>> -> memref<128x256xf32, #tpu.memory_space<vmem>>
    %dma_start3A_150 = arith.constant 0 : i32
    %dma_start3A_151 = tpu.memref_slice %arg4[%add3A_144, %dma_start3A_150] : memref<16384x256xf32, #tpu.memory_space<hbm>> -> memref<128x256xf32, #tpu.memory_space<hbm>>
    %dma_start3A_152 = arith.constant 0 : i32
    %dma_start3A_153 = tpu.memref_slice %arg4[%add3A_144, %dma_start3A_152] : memref<16384x256xf32, #tpu.memory_space<hbm>> -> memref<128x256xf32, #tpu.memory_space<hbm>>
    %dma_start3A_154 = arith.constant 0 : i32
    %dma_start3A_155 = arith.constant 0 : i32
    %dma_start3A_156 = tpu.memref_slice %arg6[%dma_start3A_145, %dma_start3A_154, %dma_start3A_155] : memref<2x128x256xf32, #tpu.memory_space<vmem>> -> memref<1x128x256xf32, #tpu.memory_space<vmem>>
    %dma_start3A_157 = tpu.memref_squeeze %dma_start3A_156 : memref<1x128x256xf32, #tpu.memory_space<vmem>> -> memref<128x256xf32, #tpu.memory_space<vmem>>
    tpu.enqueue_dma source(%dma_start3A_157 : memref<128x256xf32, #tpu.memory_space<vmem>>) target(%dma_start3A_153 : memref<128x256xf32, #tpu.memory_space<hbm>>) target_semaphore(%arg9 : memref<!tpu.dma_semaphore, #tpu.memory_space<semaphore_mem>>)
    %dma_wait3A_158 = arith.constant 3 : i32
    %dma_wait3A_159 = arith.constant 1 : i32
    %dma_wait3A_160 = arith.constant 0 : i32
    %dma_wait3A_161 = arith.constant 0 : i32
    %dma_wait3A_162 = tpu.memref_slice %arg6[%dma_wait3A_159, %dma_wait3A_160, %dma_wait3A_161] : memref<2x128x256xf32, #tpu.memory_space<vmem>> -> memref<1x128x256xf32, #tpu.memory_space<vmem>>
    %dma_wait3A_163 = tpu.memref_squeeze %dma_wait3A_162 : memref<1x128x256xf32, #tpu.memory_space<vmem>> -> memref<128x256xf32, #tpu.memory_space<vmem>>
    %dma_wait3A_164 = arith.constant 0 : i32
    %dma_wait3A_165 = tpu.memref_slice %arg5[%dma_wait3A_158, %dma_wait3A_164] : memref<4x128xi32, #tpu.memory_space<vmem>> -> memref<1x128xi32, #tpu.memory_space<vmem>>
    %dma_wait3A_166 = tpu.memref_squeeze %dma_wait3A_165 : memref<1x128xi32, #tpu.memory_space<vmem>> -> memref<128xi32, #tpu.memory_space<vmem>>
    %dma_wait3A_167 = arith.constant 0 : i32
    %dma_wait3A_168 = arith.constant 0 : i32
    %dma_wait3A_169 = tpu.memref_slice %arg2[%dma_wait3A_167, %dma_wait3A_168] : memref<16384x256xf32, #tpu.memory_space<hbm>> -> memref<16384x256xf32, #tpu.memory_space<hbm>>
    tpu.wait_indirect_dma semaphore(%arg8 : memref<!tpu.dma_semaphore, #tpu.memory_space<semaphore_mem>>) src(%dma_wait3A_169 : memref<16384x256xf32, #tpu.memory_space<hbm>>) dst(%dma_wait3A_163 : memref<128x256xf32, #tpu.memory_space<vmem>>)
    %add3A_170 = arith.constant 384 : i32
    %add3A_171 = arith.addi %mul3A_2, %add3A_170 : i32
    %dma_start3A_172 = arith.constant 1 : i32
    %dma_start3A_173 = arith.constant 0 : i32
    %dma_start3A_174 = arith.constant 0 : i32
    %dma_start3A_175 = tpu.memref_slice %arg6[%dma_start3A_172, %dma_start3A_173, %dma_start3A_174] : memref<2x128x256xf32, #tpu.memory_space<vmem>> -> memref<1x128x256xf32, #tpu.memory_space<vmem>>
    %dma_start3A_176 = tpu.memref_squeeze %dma_start3A_175 : memref<1x128x256xf32, #tpu.memory_space<vmem>> -> memref<128x256xf32, #tpu.memory_space<vmem>>
    %dma_start3A_177 = arith.constant 0 : i32
    %dma_start3A_178 = tpu.memref_slice %arg4[%add3A_171, %dma_start3A_177] : memref<16384x256xf32, #tpu.memory_space<hbm>> -> memref<128x256xf32, #tpu.memory_space<hbm>>
    %dma_start3A_179 = arith.constant 0 : i32
    %dma_start3A_180 = tpu.memref_slice %arg4[%add3A_171, %dma_start3A_179] : memref<16384x256xf32, #tpu.memory_space<hbm>> -> memref<128x256xf32, #tpu.memory_space<hbm>>
    %dma_start3A_181 = arith.constant 0 : i32
    %dma_start3A_182 = arith.constant 0 : i32
    %dma_start3A_183 = tpu.memref_slice %arg6[%dma_start3A_172, %dma_start3A_181, %dma_start3A_182] : memref<2x128x256xf32, #tpu.memory_space<vmem>> -> memref<1x128x256xf32, #tpu.memory_space<vmem>>
    %dma_start3A_184 = tpu.memref_squeeze %dma_start3A_183 : memref<1x128x256xf32, #tpu.memory_space<vmem>> -> memref<128x256xf32, #tpu.memory_space<vmem>>
    tpu.enqueue_dma source(%dma_start3A_184 : memref<128x256xf32, #tpu.memory_space<vmem>>) target(%dma_start3A_180 : memref<128x256xf32, #tpu.memory_space<hbm>>) target_semaphore(%arg10 : memref<!tpu.dma_semaphore, #tpu.memory_space<semaphore_mem>>)
    %dma_wait3A_185 = arith.constant 0 : i32
    %dma_wait3A_186 = arith.constant 0 : i32
    %dma_wait3A_187 = arith.constant 0 : i32
    %dma_wait3A_188 = tpu.memref_slice %arg6[%dma_wait3A_185, %dma_wait3A_186, %dma_wait3A_187] : memref<2x128x256xf32, #tpu.memory_space<vmem>> -> memref<1x128x256xf32, #tpu.memory_space<vmem>>
    %dma_wait3A_189 = tpu.memref_squeeze %dma_wait3A_188 : memref<1x128x256xf32, #tpu.memory_space<vmem>> -> memref<128x256xf32, #tpu.memory_space<vmem>>
    %dma_wait3A_190 = arith.constant 0 : i32
    %dma_wait3A_191 = tpu.memref_slice %arg4[%add3A_144, %dma_wait3A_190] : memref<16384x256xf32, #tpu.memory_space<hbm>> -> memref<128x256xf32, #tpu.memory_space<hbm>>
    %dma_wait3A_192 = arith.constant 0 : i32
    %dma_wait3A_193 = tpu.memref_slice %arg4[%add3A_144, %dma_wait3A_192] : memref<16384x256xf32, #tpu.memory_space<hbm>> -> memref<128x256xf32, #tpu.memory_space<hbm>>
    %dma_wait3A_194 = arith.constant 0 : i32
    %dma_wait3A_195 = arith.constant 0 : i32
    %dma_wait3A_196 = tpu.memref_slice %arg6[%dma_wait3A_185, %dma_wait3A_194, %dma_wait3A_195] : memref<2x128x256xf32, #tpu.memory_space<vmem>> -> memref<1x128x256xf32, #tpu.memory_space<vmem>>
    %dma_wait3A_197 = tpu.memref_squeeze %dma_wait3A_196 : memref<1x128x256xf32, #tpu.memory_space<vmem>> -> memref<128x256xf32, #tpu.memory_space<vmem>>
    tpu.wait_dma2 semaphore(%arg9 : memref<!tpu.dma_semaphore, #tpu.memory_space<semaphore_mem>>) src(%dma_wait3A_197 : memref<128x256xf32, #tpu.memory_space<vmem>>) dst(%dma_wait3A_193 : memref<128x256xf32, #tpu.memory_space<hbm>>)
    %dma_wait3A_198 = arith.constant 1 : i32
    %dma_wait3A_199 = arith.constant 0 : i32
    %dma_wait3A_200 = arith.constant 0 : i32
    %dma_wait3A_201 = tpu.memref_slice %arg6[%dma_wait3A_198, %dma_wait3A_199, %dma_wait3A_200] : memref<2x128x256xf32, #tpu.memory_space<vmem>> -> memref<1x128x256xf32, #tpu.memory_space<vmem>>
    %dma_wait3A_202 = tpu.memref_squeeze %dma_wait3A_201 : memref<1x128x256xf32, #tpu.memory_space<vmem>> -> memref<128x256xf32, #tpu.memory_space<vmem>>
    %dma_wait3A_203 = arith.constant 0 : i32
    %dma_wait3A_204 = tpu.memref_slice %arg4[%add3A_171, %dma_wait3A_203] : memref<16384x256xf32, #tpu.memory_space<hbm>> -> memref<128x256xf32, #tpu.memory_space<hbm>>
    %dma_wait3A_205 = arith.constant 0 : i32
    %dma_wait3A_206 = tpu.memref_slice %arg4[%add3A_171, %dma_wait3A_205] : memref<16384x256xf32, #tpu.memory_space<hbm>> -> memref<128x256xf32, #tpu.memory_space<hbm>>
    %dma_wait3A_207 = arith.constant 0 : i32
    %dma_wait3A_208 = arith.constant 0 : i32
    %dma_wait3A_209 = tpu.memref_slice %arg6[%dma_wait3A_198, %dma_wait3A_207, %dma_wait3A_208] : memref<2x128x256xf32, #tpu.memory_space<vmem>> -> memref<1x128x256xf32, #tpu.memory_space<vmem>>
    %dma_wait3A_210 = tpu.memref_squeeze %dma_wait3A_209 : memref<1x128x256xf32, #tpu.memory_space<vmem>> -> memref<128x256xf32, #tpu.memory_space<vmem>>
    tpu.wait_dma2 semaphore(%arg10 : memref<!tpu.dma_semaphore, #tpu.memory_space<semaphore_mem>>) src(%dma_wait3A_210 : memref<128x256xf32, #tpu.memory_space<vmem>>) dst(%dma_wait3A_206 : memref<128x256xf32, #tpu.memory_space<hbm>>)
    return
  }
}

module attributes {stable_mosaic.version = 14 : i64} {
  func.func @_topk_body(%arg0: i32, %arg1: i32, %arg2: memref<256x256xf32, #tpu.memory_space<vmem>>, %arg3: memref<2048x256xf32, #tpu.memory_space<vmem>>, %arg4: memref<256x8xi32, #tpu.memory_space<vmem>>, %arg5: memref<8x256xi32, #tpu.memory_space<vmem>>, %arg6: memref<8x2x256xf32, #tpu.memory_space<vmem>>, %arg7: memref<8x8x256xf32, #tpu.memory_space<vmem>>, %arg8: memref<8x8x256xf32, #tpu.memory_space<vmem>>, %arg9: memref<256xf32, #tpu.memory_space<vmem>>, %arg10: memref<8x2048xf32, #tpu.memory_space<vmem>>) attributes {dimension_semantics = [#tpu.dimension_semantics<arbitrary>, #tpu.dimension_semantics<arbitrary>], iteration_bounds = array<i64: 8, 8>, scalar_prefetch = 0 : i64, scratch_operands = 4 : i64, tpu.core_type = #tpu.core_type<tc>, window_params = [{transform_indices = @transform_0, window_bounds = array<i64: 256, 256>}, {transform_indices = @transform_1, window_bounds = array<i64: 2048, 256>}, {transform_indices = @transform_2, window_bounds = array<i64: 256, 8>}, {transform_indices = @transform_3, window_bounds = array<i64: 8, 256>}, {transform_indices = @transform_4, window_bounds = array<i64: 8, 2, 256>}]} {
    %get3A = arith.constant 0 : index
    %get3A_0 = arith.constant 0 : index
    %get3A_1 = vector.load %arg2[%get3A, %get3A_0] : memref<256x256xf32, #tpu.memory_space<vmem>>, vector<256x256xf32>
    %get3A_2 = arith.constant 0 : index
    %get3A_3 = arith.constant 0 : index
    %get3A_4 = vector.load %arg3[%get3A_2, %get3A_3] : memref<2048x256xf32, #tpu.memory_space<vmem>>, vector<2048x256xf32>
    %eq3A = arith.constant 0 : i32
    %eq3A_5 = arith.cmpi eq, %arg1, %eq3A : i32
    %convert_element_type3A = arith.extui %eq3A_5 : i1 to i32
    %cond3A = arith.constant 0 : i32
    %cond3A_6 = arith.cmpi ne, %convert_element_type3A, %cond3A : i32
    scf.if %cond3A_6 {
      %mul3A_197 = arith.mulf %get3A_1, %get3A_1 : vector<256x256xf32>
      %reduce_sum3A = arith.constant dense<0.000000e+00> : vector<256xf32>
      %reduce_sum3A_198 = vector.multi_reduction <add>, %mul3A_197, %reduce_sum3A [1] : vector<256x256xf32> to vector<256xf32>
      %swap3A_199 = arith.constant 0 : index
      %swap3A_200 = vector.load %arg9[%swap3A_199] : memref<256xf32, #tpu.memory_space<vmem>>, vector<256xf32>
      tpu.vector_store %arg9[%swap3A_199], %reduce_sum3A_198 {strides = array<i32>} : memref<256xf32, #tpu.memory_space<vmem>>, vector<256xf32>,
    } else {
    }
    %eq3A_7 = arith.constant 0 : i32
    %eq3A_8 = arith.cmpi eq, %arg0, %eq3A_7 : i32
    %convert_element_type3A_9 = arith.extui %eq3A_8 : i1 to i32
    %cond3A_10 = arith.constant 0 : i32
    %cond3A_11 = arith.cmpi ne, %convert_element_type3A_9, %cond3A_10 : i32
    scf.if %cond3A_11 {
      %mul3A_197 = arith.mulf %get3A_4, %get3A_4 : vector<2048x256xf32>
      %reduce_sum3A = arith.constant dense<0.000000e+00> : vector<2048xf32>
      %reduce_sum3A_198 = vector.multi_reduction <add>, %mul3A_197, %reduce_sum3A [1] : vector<2048x256xf32> to vector<2048xf32>
      %swap3A_199 = arith.index_cast %arg1 : i32 to index
      %swap3A_200 = arith.constant 0 : index
      %swap3A_201 = vector.load %arg10[%swap3A_199, %swap3A_200] : memref<8x2048xf32, #tpu.memory_space<vmem>>, vector<1x2048xf32>
      %swap3A_202 = vector.shape_cast %swap3A_201 : vector<1x2048xf32> to vector<2048xf32>
      %swap3A_203 = vector.shape_cast %reduce_sum3A_198 : vector<2048xf32> to vector<1x2048xf32>
      tpu.vector_store %arg10[%swap3A_199, %swap3A_200], %swap3A_203 {strides = array<i32>} : memref<8x2048xf32, #tpu.memory_space<vmem>>, vector<1x2048xf32>,
    } else {
    }
    %get3A_12 = arith.constant 0 : index
    %get3A_13 = vector.load %arg9[%get3A_12] : memref<256xf32, #tpu.memory_space<vmem>>, vector<256xf32>
    %get3A_14 = arith.index_cast %arg1 : i32 to index
    %get3A_15 = arith.constant 0 : index
    %get3A_16 = vector.load %arg10[%get3A_14, %get3A_15] : memref<8x2048xf32, #tpu.memory_space<vmem>>, vector<1x2048xf32>
    %get3A_17 = vector.shape_cast %get3A_16 : vector<1x2048xf32> to vector<2048xf32>
    %dot_general3A = arith.constant dense<0.000000e+00> : vector<256x2048xf32>
    %dot_general3A_18 = tpu.matmul %get3A_1, %get3A_4, %dot_general3A {dimension_numbers = #tpu.dot_dimension_numbers<[1], [1], [0], [0], [0, 0, 1, 0], [], []>, transpose_lhs_hint = false} : vector<256x256xf32>, vector<2048x256xf32>, vector<256x2048xf32> -> vector<256x2048xf32>
    %mul3A = arith.constant -2.000000e+00 : f32
    %mul3A_19 = vector.broadcast %mul3A : f32 to vector<256x2048xf32>
    %mul3A_20 = arith.mulf %mul3A_19, %dot_general3A_18 : vector<256x2048xf32>
    %broadcast_in_dim3A = vector.shape_cast %get3A_13 : vector<256xf32> to vector<256x1xf32>
    %add3A = vector.broadcast %broadcast_in_dim3A : vector<256x1xf32> to vector<256x2048xf32>
    %add3A_21 = arith.addf %mul3A_20, %add3A : vector<256x2048xf32>
    %broadcast_in_dim3A_22 = vector.shape_cast %get3A_17 : vector<2048xf32> to vector<1x2048xf32>
    %add3A_23 = vector.broadcast %broadcast_in_dim3A_22 : vector<1x2048xf32> to vector<256x2048xf32>
    %add3A_24 = arith.addf %add3A_21, %add3A_23 : vector<256x2048xf32>
    %iota3A = tpu.iota {dimensions = array<i32: 1>} : vector<256x2048xi32>
    %convert_element_type3A_25 = arith.sitofp %iota3A : vector<256x2048xi32> to vector<256x2048xf32>
    %mul3A_26 = arith.constant 2048 : i32
    %mul3A_27 = arith.muli %arg1, %mul3A_26 : i32
    %convert_element_type3A_28 = arith.sitofp %mul3A_27 : i32 to f32
    %reduce_min3A = arith.constant dense<0x7F800000> : vector<256xf32>
    %reduce_min3A_29 = vector.multi_reduction <minimumf>, %add3A_24, %reduce_min3A [1] : vector<256x2048xf32> to vector<256xf32>
    %broadcast_in_dim3A_30 = vector.shape_cast %reduce_min3A_29 : vector<256xf32> to vector<256x1xf32>
    %eq3A_31 = vector.broadcast %broadcast_in_dim3A_30 : vector<256x1xf32> to vector<256x2048xf32>
    %eq3A_32 = arith.cmpf oeq, %add3A_24, %eq3A_31 : vector<256x2048xf32>
    %jit3A = arith.constant 3.000000e+38 : f32
    %broadcast_in_dim3A_33 = vector.broadcast %jit3A : f32 to vector<256x2048xf32>
    %select_n3A = arith.select %eq3A_32, %convert_element_type3A_25, %broadcast_in_dim3A_33 : vector<256x2048xi1>, vector<256x2048xf32>
    %reduce_min3A_34 = arith.constant dense<0x7F800000> : vector<256xf32>
    %reduce_min3A_35 = vector.multi_reduction <minimumf>, %select_n3A, %reduce_min3A_34 [1] : vector<256x2048xf32> to vector<256xf32>
    %add3A_36 = vector.broadcast %convert_element_type3A_28 : f32 to vector<256xf32>
    %add3A_37 = arith.addf %reduce_min3A_35, %add3A_36 : vector<256xf32>
    %broadcast_in_dim3A_38 = vector.shape_cast %reduce_min3A_35 : vector<256xf32> to vector<256x1xf32>
    %eq3A_39 = vector.broadcast %broadcast_in_dim3A_38 : vector<256x1xf32> to vector<256x2048xf32>
    %eq3A_40 = arith.cmpf oeq, %select_n3A, %eq3A_39 : vector<256x2048xf32>
    %jit3A_41 = arith.constant 0x7F800000 : f32
    %broadcast_in_dim3A_42 = vector.broadcast %jit3A_41 : f32 to vector<256x2048xf32>
    %select_n3A_43 = arith.select %eq3A_40, %broadcast_in_dim3A_42, %add3A_24 : vector<256x2048xi1>, vector<256x2048xf32>
    %reduce_min3A_44 = arith.constant dense<0x7F800000> : vector<256xf32>
    %reduce_min3A_45 = vector.multi_reduction <minimumf>, %select_n3A_43, %reduce_min3A_44 [1] : vector<256x2048xf32> to vector<256xf32>
    %broadcast_in_dim3A_46 = vector.shape_cast %reduce_min3A_45 : vector<256xf32> to vector<256x1xf32>
    %eq3A_47 = vector.broadcast %broadcast_in_dim3A_46 : vector<256x1xf32> to vector<256x2048xf32>
    %eq3A_48 = arith.cmpf oeq, %select_n3A_43, %eq3A_47 : vector<256x2048xf32>
    %jit3A_49 = arith.constant 3.000000e+38 : f32
    %broadcast_in_dim3A_50 = vector.broadcast %jit3A_49 : f32 to vector<256x2048xf32>
    %select_n3A_51 = arith.select %eq3A_48, %convert_element_type3A_25, %broadcast_in_dim3A_50 : vector<256x2048xi1>, vector<256x2048xf32>
    %reduce_min3A_52 = arith.constant dense<0x7F800000> : vector<256xf32>
    %reduce_min3A_53 = vector.multi_reduction <minimumf>, %select_n3A_51, %reduce_min3A_52 [1] : vector<256x2048xf32> to vector<256xf32>
    %add3A_54 = vector.broadcast %convert_element_type3A_28 : f32 to vector<256xf32>
    %add3A_55 = arith.addf %reduce_min3A_53, %add3A_54 : vector<256xf32>
    %broadcast_in_dim3A_56 = vector.shape_cast %reduce_min3A_53 : vector<256xf32> to vector<256x1xf32>
    %eq3A_57 = vector.broadcast %broadcast_in_dim3A_56 : vector<256x1xf32> to vector<256x2048xf32>
    %eq3A_58 = arith.cmpf oeq, %select_n3A_51, %eq3A_57 : vector<256x2048xf32>
    %jit3A_59 = arith.constant 0x7F800000 : f32
    %broadcast_in_dim3A_60 = vector.broadcast %jit3A_59 : f32 to vector<256x2048xf32>
    %select_n3A_61 = arith.select %eq3A_58, %broadcast_in_dim3A_60, %select_n3A_43 : vector<256x2048xi1>, vector<256x2048xf32>
    %reduce_min3A_62 = arith.constant dense<0x7F800000> : vector<256xf32>
    %reduce_min3A_63 = vector.multi_reduction <minimumf>, %select_n3A_61, %reduce_min3A_62 [1] : vector<256x2048xf32> to vector<256xf32>
    %broadcast_in_dim3A_64 = vector.shape_cast %reduce_min3A_63 : vector<256xf32> to vector<256x1xf32>
    %eq3A_65 = vector.broadcast %broadcast_in_dim3A_64 : vector<256x1xf32> to vector<256x2048xf32>
    %eq3A_66 = arith.cmpf oeq, %select_n3A_61, %eq3A_65 : vector<256x2048xf32>
    %jit3A_67 = arith.constant 3.000000e+38 : f32
    %broadcast_in_dim3A_68 = vector.broadcast %jit3A_67 : f32 to vector<256x2048xf32>
    %select_n3A_69 = arith.select %eq3A_66, %convert_element_type3A_25, %broadcast_in_dim3A_68 : vector<256x2048xi1>, vector<256x2048xf32>
    %reduce_min3A_70 = arith.constant dense<0x7F800000> : vector<256xf32>
    %reduce_min3A_71 = vector.multi_reduction <minimumf>, %select_n3A_69, %reduce_min3A_70 [1] : vector<256x2048xf32> to vector<256xf32>
    %add3A_72 = vector.broadcast %convert_element_type3A_28 : f32 to vector<256xf32>
    %add3A_73 = arith.addf %reduce_min3A_71, %add3A_72 : vector<256xf32>
    %broadcast_in_dim3A_74 = vector.shape_cast %reduce_min3A_71 : vector<256xf32> to vector<256x1xf32>
    %eq3A_75 = vector.broadcast %broadcast_in_dim3A_74 : vector<256x1xf32> to vector<256x2048xf32>
    %eq3A_76 = arith.cmpf oeq, %select_n3A_69, %eq3A_75 : vector<256x2048xf32>
    %jit3A_77 = arith.constant 0x7F800000 : f32
    %broadcast_in_dim3A_78 = vector.broadcast %jit3A_77 : f32 to vector<256x2048xf32>
    %select_n3A_79 = arith.select %eq3A_76, %broadcast_in_dim3A_78, %select_n3A_61 : vector<256x2048xi1>, vector<256x2048xf32>
    %reduce_min3A_80 = arith.constant dense<0x7F800000> : vector<256xf32>
    %reduce_min3A_81 = vector.multi_reduction <minimumf>, %select_n3A_79, %reduce_min3A_80 [1] : vector<256x2048xf32> to vector<256xf32>
    %broadcast_in_dim3A_82 = vector.shape_cast %reduce_min3A_81 : vector<256xf32> to vector<256x1xf32>
    %eq3A_83 = vector.broadcast %broadcast_in_dim3A_82 : vector<256x1xf32> to vector<256x2048xf32>
    %eq3A_84 = arith.cmpf oeq, %select_n3A_79, %eq3A_83 : vector<256x2048xf32>
    %jit3A_85 = arith.constant 3.000000e+38 : f32
    %broadcast_in_dim3A_86 = vector.broadcast %jit3A_85 : f32 to vector<256x2048xf32>
    %select_n3A_87 = arith.select %eq3A_84, %convert_element_type3A_25, %broadcast_in_dim3A_86 : vector<256x2048xi1>, vector<256x2048xf32>
    %reduce_min3A_88 = arith.constant dense<0x7F800000> : vector<256xf32>
    %reduce_min3A_89 = vector.multi_reduction <minimumf>, %select_n3A_87, %reduce_min3A_88 [1] : vector<256x2048xf32> to vector<256xf32>
    %add3A_90 = vector.broadcast %convert_element_type3A_28 : f32 to vector<256xf32>
    %add3A_91 = arith.addf %reduce_min3A_89, %add3A_90 : vector<256xf32>
    %broadcast_in_dim3A_92 = vector.shape_cast %reduce_min3A_89 : vector<256xf32> to vector<256x1xf32>
    %eq3A_93 = vector.broadcast %broadcast_in_dim3A_92 : vector<256x1xf32> to vector<256x2048xf32>
    %eq3A_94 = arith.cmpf oeq, %select_n3A_87, %eq3A_93 : vector<256x2048xf32>
    %jit3A_95 = arith.constant 0x7F800000 : f32
    %broadcast_in_dim3A_96 = vector.broadcast %jit3A_95 : f32 to vector<256x2048xf32>
    %select_n3A_97 = arith.select %eq3A_94, %broadcast_in_dim3A_96, %select_n3A_79 : vector<256x2048xi1>, vector<256x2048xf32>
    %reduce_min3A_98 = arith.constant dense<0x7F800000> : vector<256xf32>
    %reduce_min3A_99 = vector.multi_reduction <minimumf>, %select_n3A_97, %reduce_min3A_98 [1] : vector<256x2048xf32> to vector<256xf32>
    %broadcast_in_dim3A_100 = vector.shape_cast %reduce_min3A_99 : vector<256xf32> to vector<256x1xf32>
    %eq3A_101 = vector.broadcast %broadcast_in_dim3A_100 : vector<256x1xf32> to vector<256x2048xf32>
    %eq3A_102 = arith.cmpf oeq, %select_n3A_97, %eq3A_101 : vector<256x2048xf32>
    %jit3A_103 = arith.constant 3.000000e+38 : f32
    %broadcast_in_dim3A_104 = vector.broadcast %jit3A_103 : f32 to vector<256x2048xf32>
    %select_n3A_105 = arith.select %eq3A_102, %convert_element_type3A_25, %broadcast_in_dim3A_104 : vector<256x2048xi1>, vector<256x2048xf32>
    %reduce_min3A_106 = arith.constant dense<0x7F800000> : vector<256xf32>
    %reduce_min3A_107 = vector.multi_reduction <minimumf>, %select_n3A_105, %reduce_min3A_106 [1] : vector<256x2048xf32> to vector<256xf32>
    %add3A_108 = vector.broadcast %convert_element_type3A_28 : f32 to vector<256xf32>
    %add3A_109 = arith.addf %reduce_min3A_107, %add3A_108 : vector<256xf32>
    %broadcast_in_dim3A_110 = vector.shape_cast %reduce_min3A_107 : vector<256xf32> to vector<256x1xf32>
    %eq3A_111 = vector.broadcast %broadcast_in_dim3A_110 : vector<256x1xf32> to vector<256x2048xf32>
    %eq3A_112 = arith.cmpf oeq, %select_n3A_105, %eq3A_111 : vector<256x2048xf32>
    %jit3A_113 = arith.constant 0x7F800000 : f32
    %broadcast_in_dim3A_114 = vector.broadcast %jit3A_113 : f32 to vector<256x2048xf32>
    %select_n3A_115 = arith.select %eq3A_112, %broadcast_in_dim3A_114, %select_n3A_97 : vector<256x2048xi1>, vector<256x2048xf32>
    %reduce_min3A_116 = arith.constant dense<0x7F800000> : vector<256xf32>
    %reduce_min3A_117 = vector.multi_reduction <minimumf>, %select_n3A_115, %reduce_min3A_116 [1] : vector<256x2048xf32> to vector<256xf32>
    %broadcast_in_dim3A_118 = vector.shape_cast %reduce_min3A_117 : vector<256xf32> to vector<256x1xf32>
    %eq3A_119 = vector.broadcast %broadcast_in_dim3A_118 : vector<256x1xf32> to vector<256x2048xf32>
    %eq3A_120 = arith.cmpf oeq, %select_n3A_115, %eq3A_119 : vector<256x2048xf32>
    %jit3A_121 = arith.constant 3.000000e+38 : f32
    %broadcast_in_dim3A_122 = vector.broadcast %jit3A_121 : f32 to vector<256x2048xf32>
    %select_n3A_123 = arith.select %eq3A_120, %convert_element_type3A_25, %broadcast_in_dim3A_122 : vector<256x2048xi1>, vector<256x2048xf32>
    %reduce_min3A_124 = arith.constant dense<0x7F800000> : vector<256xf32>
    %reduce_min3A_125 = vector.multi_reduction <minimumf>, %select_n3A_123, %reduce_min3A_124 [1] : vector<256x2048xf32> to vector<256xf32>
    %add3A_126 = vector.broadcast %convert_element_type3A_28 : f32 to vector<256xf32>
    %add3A_127 = arith.addf %reduce_min3A_125, %add3A_126 : vector<256xf32>
    %broadcast_in_dim3A_128 = vector.shape_cast %reduce_min3A_125 : vector<256xf32> to vector<256x1xf32>
    %eq3A_129 = vector.broadcast %broadcast_in_dim3A_128 : vector<256x1xf32> to vector<256x2048xf32>
    %eq3A_130 = arith.cmpf oeq, %select_n3A_123, %eq3A_129 : vector<256x2048xf32>
    %jit3A_131 = arith.constant 0x7F800000 : f32
    %broadcast_in_dim3A_132 = vector.broadcast %jit3A_131 : f32 to vector<256x2048xf32>
    %select_n3A_133 = arith.select %eq3A_130, %broadcast_in_dim3A_132, %select_n3A_115 : vector<256x2048xi1>, vector<256x2048xf32>
    %reduce_min3A_134 = arith.constant dense<0x7F800000> : vector<256xf32>
    %reduce_min3A_135 = vector.multi_reduction <minimumf>, %select_n3A_133, %reduce_min3A_134 [1] : vector<256x2048xf32> to vector<256xf32>
    %broadcast_in_dim3A_136 = vector.shape_cast %reduce_min3A_135 : vector<256xf32> to vector<256x1xf32>
    %eq3A_137 = vector.broadcast %broadcast_in_dim3A_136 : vector<256x1xf32> to vector<256x2048xf32>
    %eq3A_138 = arith.cmpf oeq, %select_n3A_133, %eq3A_137 : vector<256x2048xf32>
    %jit3A_139 = arith.constant 3.000000e+38 : f32
    %broadcast_in_dim3A_140 = vector.broadcast %jit3A_139 : f32 to vector<256x2048xf32>
    %select_n3A_141 = arith.select %eq3A_138, %convert_element_type3A_25, %broadcast_in_dim3A_140 : vector<256x2048xi1>, vector<256x2048xf32>
    %reduce_min3A_142 = arith.constant dense<0x7F800000> : vector<256xf32>
    %reduce_min3A_143 = vector.multi_reduction <minimumf>, %select_n3A_141, %reduce_min3A_142 [1] : vector<256x2048xf32> to vector<256xf32>
    %add3A_144 = vector.broadcast %convert_element_type3A_28 : f32 to vector<256xf32>
    %add3A_145 = arith.addf %reduce_min3A_143, %add3A_144 : vector<256xf32>
    %broadcast_in_dim3A_146 = vector.shape_cast %reduce_min3A_143 : vector<256xf32> to vector<256x1xf32>
    %eq3A_147 = vector.broadcast %broadcast_in_dim3A_146 : vector<256x1xf32> to vector<256x2048xf32>
    %eq3A_148 = arith.cmpf oeq, %select_n3A_141, %eq3A_147 : vector<256x2048xf32>
    %jit3A_149 = arith.constant 0x7F800000 : f32
    %broadcast_in_dim3A_150 = vector.broadcast %jit3A_149 : f32 to vector<256x2048xf32>
    %select_n3A_151 = arith.select %eq3A_148, %broadcast_in_dim3A_150, %select_n3A_133 : vector<256x2048xi1>, vector<256x2048xf32>
    %reduce_min3A_152 = arith.constant dense<0x7F800000> : vector<256xf32>
    %reduce_min3A_153 = vector.multi_reduction <minimumf>, %select_n3A_151, %reduce_min3A_152 [1] : vector<256x2048xf32> to vector<256xf32>
    %broadcast_in_dim3A_154 = vector.shape_cast %reduce_min3A_153 : vector<256xf32> to vector<256x1xf32>
    %eq3A_155 = vector.broadcast %broadcast_in_dim3A_154 : vector<256x1xf32> to vector<256x2048xf32>
    %eq3A_156 = arith.cmpf oeq, %select_n3A_151, %eq3A_155 : vector<256x2048xf32>
    %jit3A_157 = arith.constant 3.000000e+38 : f32
    %broadcast_in_dim3A_158 = vector.broadcast %jit3A_157 : f32 to vector<256x2048xf32>
    %select_n3A_159 = arith.select %eq3A_156, %convert_element_type3A_25, %broadcast_in_dim3A_158 : vector<256x2048xi1>, vector<256x2048xf32>
    %reduce_min3A_160 = arith.constant dense<0x7F800000> : vector<256xf32>
    %reduce_min3A_161 = vector.multi_reduction <minimumf>, %select_n3A_159, %reduce_min3A_160 [1] : vector<256x2048xf32> to vector<256xf32>
    %add3A_162 = vector.broadcast %convert_element_type3A_28 : f32 to vector<256xf32>
    %add3A_163 = arith.addf %reduce_min3A_161, %add3A_162 : vector<256xf32>
    %stack3A = vector.shape_cast %reduce_min3A_29 : vector<256xf32> to vector<1x256xf32>
    %stack3A_164 = vector.shape_cast %reduce_min3A_45 : vector<256xf32> to vector<1x256xf32>
    %stack3A_165 = vector.shape_cast %reduce_min3A_63 : vector<256xf32> to vector<1x256xf32>
    %stack3A_166 = vector.shape_cast %reduce_min3A_81 : vector<256xf32> to vector<1x256xf32>
    %stack3A_167 = vector.shape_cast %reduce_min3A_99 : vector<256xf32> to vector<1x256xf32>
    %stack3A_168 = vector.shape_cast %reduce_min3A_117 : vector<256xf32> to vector<1x256xf32>
    %stack3A_169 = vector.shape_cast %reduce_min3A_135 : vector<256xf32> to vector<1x256xf32>
    %stack3A_170 = vector.shape_cast %reduce_min3A_153 : vector<256xf32> to vector<1x256xf32>
    %stack3A_171 = tpu.concatenate %stack3A, %stack3A_164, %stack3A_165, %stack3A_166, %stack3A_167, %stack3A_168, %stack3A_169, %stack3A_170 in 0 : vector<1x256xf32>, vector<1x256xf32>, vector<1x256xf32>, vector<1x256xf32>, vector<1x256xf32>, vector<1x256xf32>, vector<1x256xf32>, vector<1x256xf32> -> vector<8x256xf32>
    %swap3A = arith.index_cast %arg1 : i32 to index
    %swap3A_172 = arith.constant 0 : index
    %swap3A_173 = arith.constant 0 : index
    %swap3A_174 = vector.load %arg7[%swap3A, %swap3A_172, %swap3A_173] : memref<8x8x256xf32, #tpu.memory_space<vmem>>, vector<1x8x256xf32>
    %swap3A_175 = vector.shape_cast %swap3A_174 : vector<1x8x256xf32> to vector<8x256xf32>
    %swap3A_176 = vector.shape_cast %stack3A_171 : vector<8x256xf32> to vector<1x8x256xf32>
    tpu.vector_store %arg7[%swap3A, %swap3A_172, %swap3A_173], %swap3A_176 {strides = array<i32>} : memref<8x8x256xf32, #tpu.memory_space<vmem>>, vector<1x8x256xf32>,
    %stack3A_177 = vector.shape_cast %add3A_37 : vector<256xf32> to vector<1x256xf32>
    %stack3A_178 = vector.shape_cast %add3A_55 : vector<256xf32> to vector<1x256xf32>
    %stack3A_179 = vector.shape_cast %add3A_73 : vector<256xf32> to vector<1x256xf32>
    %stack3A_180 = vector.shape_cast %add3A_91 : vector<256xf32> to vector<1x256xf32>
    %stack3A_181 = vector.shape_cast %add3A_109 : vector<256xf32> to vector<1x256xf32>
    %stack3A_182 = vector.shape_cast %add3A_127 : vector<256xf32> to vector<1x256xf32>
    %stack3A_183 = vector.shape_cast %add3A_145 : vector<256xf32> to vector<1x256xf32>
    %stack3A_184 = vector.shape_cast %add3A_163 : vector<256xf32> to vector<1x256xf32>
    %stack3A_185 = tpu.concatenate %stack3A_177, %stack3A_178, %stack3A_179, %stack3A_180, %stack3A_181, %stack3A_182, %stack3A_183, %stack3A_184 in 0 : vector<1x256xf32>, vector<1x256xf32>, vector<1x256xf32>, vector<1x256xf32>, vector<1x256xf32>, vector<1x256xf32>, vector<1x256xf32>, vector<1x256xf32> -> vector<8x256xf32>
    %swap3A_186 = arith.index_cast %arg1 : i32 to index
    %swap3A_187 = arith.constant 0 : index
    %swap3A_188 = arith.constant 0 : index
    %swap3A_189 = vector.load %arg8[%swap3A_186, %swap3A_187, %swap3A_188] : memref<8x8x256xf32, #tpu.memory_space<vmem>>, vector<1x8x256xf32>
    %swap3A_190 = vector.shape_cast %swap3A_189 : vector<1x8x256xf32> to vector<8x256xf32>
    %swap3A_191 = vector.shape_cast %stack3A_185 : vector<8x256xf32> to vector<1x8x256xf32>
    tpu.vector_store %arg8[%swap3A_186, %swap3A_187, %swap3A_188], %swap3A_191 {strides = array<i32>} : memref<8x8x256xf32, #tpu.memory_space<vmem>>, vector<1x8x256xf32>,
    %eq3A_192 = arith.constant 7 : i32
    %eq3A_193 = arith.cmpi eq, %arg1, %eq3A_192 : i32
    %convert_element_type3A_194 = arith.extui %eq3A_193 : i1 to i32
    %cond3A_195 = arith.constant 0 : i32
    %cond3A_196 = arith.cmpi ne, %convert_element_type3A_194, %cond3A_195 : i32
    scf.if %cond3A_196 {
      %get3A_197 = arith.constant 0 : index
      %get3A_198 = arith.constant 0 : index
      %get3A_199 = arith.constant 0 : index
      %get3A_200 = vector.load %arg7[%get3A_197, %get3A_198, %get3A_199] : memref<8x8x256xf32, #tpu.memory_space<vmem>>, vector<8x8x256xf32>
      %get3A_201 = arith.constant 0 : index
      %get3A_202 = arith.constant 0 : index
      %get3A_203 = arith.constant 0 : index
      %get3A_204 = vector.load %arg8[%get3A_201, %get3A_202, %get3A_203] : memref<8x8x256xf32, #tpu.memory_space<vmem>>, vector<8x8x256xf32>
      %reduce_min3A_205 = arith.constant dense<0x7F800000> : vector<8x256xf32>
      %reduce_min3A_206 = vector.multi_reduction <minimumf>, %get3A_200, %reduce_min3A_205 [0] : vector<8x8x256xf32> to vector<8x256xf32>
      %reduce_min3A_207 = arith.constant dense<0x7F800000> : vector<256xf32>
      %reduce_min3A_208 = vector.multi_reduction <minimumf>, %reduce_min3A_206, %reduce_min3A_207 [0] : vector<8x256xf32> to vector<256xf32>
      %broadcast_in_dim3A_209 = vector.shape_cast %reduce_min3A_208 : vector<256xf32> to vector<1x1x256xf32>
      %eq3A_210 = vector.broadcast %broadcast_in_dim3A_209 : vector<1x1x256xf32> to vector<8x8x256xf32>
      %eq3A_211 = arith.cmpf oeq, %get3A_200, %eq3A_210 : vector<8x8x256xf32>
      %jit3A_212 = arith.constant 3.000000e+38 : f32
      %broadcast_in_dim3A_213 = vector.broadcast %jit3A_212 : f32 to vector<8x8x256xf32>
      %select_n3A_214 = arith.select %eq3A_211, %get3A_204, %broadcast_in_dim3A_213 : vector<8x8x256xi1>, vector<8x8x256xf32>
      %reduce_min3A_215 = arith.constant dense<0x7F800000> : vector<8x256xf32>
      %reduce_min3A_216 = vector.multi_reduction <minimumf>, %select_n3A_214, %reduce_min3A_215 [0] : vector<8x8x256xf32> to vector<8x256xf32>
      %reduce_min3A_217 = arith.constant dense<0x7F800000> : vector<256xf32>
      %reduce_min3A_218 = vector.multi_reduction <minimumf>, %reduce_min3A_216, %reduce_min3A_217 [0] : vector<8x256xf32> to vector<256xf32>
      %broadcast_in_dim3A_219 = vector.shape_cast %reduce_min3A_218 : vector<256xf32> to vector<1x1x256xf32>
      %eq3A_220 = vector.broadcast %broadcast_in_dim3A_219 : vector<1x1x256xf32> to vector<8x8x256xf32>
      %eq3A_221 = arith.cmpf oeq, %get3A_204, %eq3A_220 : vector<8x8x256xf32>
      %jit3A_222 = arith.constant 0x7F800000 : f32
      %broadcast_in_dim3A_223 = vector.broadcast %jit3A_222 : f32 to vector<8x8x256xf32>
      %select_n3A_224 = arith.select %eq3A_221, %broadcast_in_dim3A_223, %get3A_200 : vector<8x8x256xi1>, vector<8x8x256xf32>
      %reduce_min3A_225 = arith.constant dense<0x7F800000> : vector<8x256xf32>
      %reduce_min3A_226 = vector.multi_reduction <minimumf>, %select_n3A_224, %reduce_min3A_225 [0] : vector<8x8x256xf32> to vector<8x256xf32>
      %reduce_min3A_227 = arith.constant dense<0x7F800000> : vector<256xf32>
      %reduce_min3A_228 = vector.multi_reduction <minimumf>, %reduce_min3A_226, %reduce_min3A_227 [0] : vector<8x256xf32> to vector<256xf32>
      %broadcast_in_dim3A_229 = vector.shape_cast %reduce_min3A_228 : vector<256xf32> to vector<1x1x256xf32>
      %eq3A_230 = vector.broadcast %broadcast_in_dim3A_229 : vector<1x1x256xf32> to vector<8x8x256xf32>
      %eq3A_231 = arith.cmpf oeq, %select_n3A_224, %eq3A_230 : vector<8x8x256xf32>
      %jit3A_232 = arith.constant 3.000000e+38 : f32
      %broadcast_in_dim3A_233 = vector.broadcast %jit3A_232 : f32 to vector<8x8x256xf32>
      %select_n3A_234 = arith.select %eq3A_231, %get3A_204, %broadcast_in_dim3A_233 : vector<8x8x256xi1>, vector<8x8x256xf32>
      %reduce_min3A_235 = arith.constant dense<0x7F800000> : vector<8x256xf32>
      %reduce_min3A_236 = vector.multi_reduction <minimumf>, %select_n3A_234, %reduce_min3A_235 [0] : vector<8x8x256xf32> to vector<8x256xf32>
      %reduce_min3A_237 = arith.constant dense<0x7F800000> : vector<256xf32>
      %reduce_min3A_238 = vector.multi_reduction <minimumf>, %reduce_min3A_236, %reduce_min3A_237 [0] : vector<8x256xf32> to vector<256xf32>
      %broadcast_in_dim3A_239 = vector.shape_cast %reduce_min3A_238 : vector<256xf32> to vector<1x1x256xf32>
      %eq3A_240 = vector.broadcast %broadcast_in_dim3A_239 : vector<1x1x256xf32> to vector<8x8x256xf32>
      %eq3A_241 = arith.cmpf oeq, %get3A_204, %eq3A_240 : vector<8x8x256xf32>
      %jit3A_242 = arith.constant 0x7F800000 : f32
      %broadcast_in_dim3A_243 = vector.broadcast %jit3A_242 : f32 to vector<8x8x256xf32>
      %select_n3A_244 = arith.select %eq3A_241, %broadcast_in_dim3A_243, %select_n3A_224 : vector<8x8x256xi1>, vector<8x8x256xf32>
      %reduce_min3A_245 = arith.constant dense<0x7F800000> : vector<8x256xf32>
      %reduce_min3A_246 = vector.multi_reduction <minimumf>, %select_n3A_244, %reduce_min3A_245 [0] : vector<8x8x256xf32> to vector<8x256xf32>
      %reduce_min3A_247 = arith.constant dense<0x7F800000> : vector<256xf32>
      %reduce_min3A_248 = vector.multi_reduction <minimumf>, %reduce_min3A_246, %reduce_min3A_247 [0] : vector<8x256xf32> to vector<256xf32>
      %broadcast_in_dim3A_249 = vector.shape_cast %reduce_min3A_248 : vector<256xf32> to vector<1x1x256xf32>
      %eq3A_250 = vector.broadcast %broadcast_in_dim3A_249 : vector<1x1x256xf32> to vector<8x8x256xf32>
      %eq3A_251 = arith.cmpf oeq, %select_n3A_244, %eq3A_250 : vector<8x8x256xf32>
      %jit3A_252 = arith.constant 3.000000e+38 : f32
      %broadcast_in_dim3A_253 = vector.broadcast %jit3A_252 : f32 to vector<8x8x256xf32>
      %select_n3A_254 = arith.select %eq3A_251, %get3A_204, %broadcast_in_dim3A_253 : vector<8x8x256xi1>, vector<8x8x256xf32>
      %reduce_min3A_255 = arith.constant dense<0x7F800000> : vector<8x256xf32>
      %reduce_min3A_256 = vector.multi_reduction <minimumf>, %select_n3A_254, %reduce_min3A_255 [0] : vector<8x8x256xf32> to vector<8x256xf32>
      %reduce_min3A_257 = arith.constant dense<0x7F800000> : vector<256xf32>
      %reduce_min3A_258 = vector.multi_reduction <minimumf>, %reduce_min3A_256, %reduce_min3A_257 [0] : vector<8x256xf32> to vector<256xf32>
      %broadcast_in_dim3A_259 = vector.shape_cast %reduce_min3A_258 : vector<256xf32> to vector<1x1x256xf32>
      %eq3A_260 = vector.broadcast %broadcast_in_dim3A_259 : vector<1x1x256xf32> to vector<8x8x256xf32>
      %eq3A_261 = arith.cmpf oeq, %get3A_204, %eq3A_260 : vector<8x8x256xf32>
      %jit3A_262 = arith.constant 0x7F800000 : f32
      %broadcast_in_dim3A_263 = vector.broadcast %jit3A_262 : f32 to vector<8x8x256xf32>
      %select_n3A_264 = arith.select %eq3A_261, %broadcast_in_dim3A_263, %select_n3A_244 : vector<8x8x256xi1>, vector<8x8x256xf32>
      %reduce_min3A_265 = arith.constant dense<0x7F800000> : vector<8x256xf32>
      %reduce_min3A_266 = vector.multi_reduction <minimumf>, %select_n3A_264, %reduce_min3A_265 [0] : vector<8x8x256xf32> to vector<8x256xf32>
      %reduce_min3A_267 = arith.constant dense<0x7F800000> : vector<256xf32>
      %reduce_min3A_268 = vector.multi_reduction <minimumf>, %reduce_min3A_266, %reduce_min3A_267 [0] : vector<8x256xf32> to vector<256xf32>
      %broadcast_in_dim3A_269 = vector.shape_cast %reduce_min3A_268 : vector<256xf32> to vector<1x1x256xf32>
      %eq3A_270 = vector.broadcast %broadcast_in_dim3A_269 : vector<1x1x256xf32> to vector<8x8x256xf32>
      %eq3A_271 = arith.cmpf oeq, %select_n3A_264, %eq3A_270 : vector<8x8x256xf32>
      %jit3A_272 = arith.constant 3.000000e+38 : f32
      %broadcast_in_dim3A_273 = vector.broadcast %jit3A_272 : f32 to vector<8x8x256xf32>
      %select_n3A_274 = arith.select %eq3A_271, %get3A_204, %broadcast_in_dim3A_273 : vector<8x8x256xi1>, vector<8x8x256xf32>
      %reduce_min3A_275 = arith.constant dense<0x7F800000> : vector<8x256xf32>
      %reduce_min3A_276 = vector.multi_reduction <minimumf>, %select_n3A_274, %reduce_min3A_275 [0] : vector<8x8x256xf32> to vector<8x256xf32>
      %reduce_min3A_277 = arith.constant dense<0x7F800000> : vector<256xf32>
      %reduce_min3A_278 = vector.multi_reduction <minimumf>, %reduce_min3A_276, %reduce_min3A_277 [0] : vector<8x256xf32> to vector<256xf32>
      %broadcast_in_dim3A_279 = vector.shape_cast %reduce_min3A_278 : vector<256xf32> to vector<1x1x256xf32>
      %eq3A_280 = vector.broadcast %broadcast_in_dim3A_279 : vector<1x1x256xf32> to vector<8x8x256xf32>
      %eq3A_281 = arith.cmpf oeq, %get3A_204, %eq3A_280 : vector<8x8x256xf32>
      %jit3A_282 = arith.constant 0x7F800000 : f32
      %broadcast_in_dim3A_283 = vector.broadcast %jit3A_282 : f32 to vector<8x8x256xf32>
      %select_n3A_284 = arith.select %eq3A_281, %broadcast_in_dim3A_283, %select_n3A_264 : vector<8x8x256xi1>, vector<8x8x256xf32>
      %reduce_min3A_285 = arith.constant dense<0x7F800000> : vector<8x256xf32>
      %reduce_min3A_286 = vector.multi_reduction <minimumf>, %select_n3A_284, %reduce_min3A_285 [0] : vector<8x8x256xf32> to vector<8x256xf32>
      %reduce_min3A_287 = arith.constant dense<0x7F800000> : vector<256xf32>
      %reduce_min3A_288 = vector.multi_reduction <minimumf>, %reduce_min3A_286, %reduce_min3A_287 [0] : vector<8x256xf32> to vector<256xf32>
      %broadcast_in_dim3A_289 = vector.shape_cast %reduce_min3A_288 : vector<256xf32> to vector<1x1x256xf32>
      %eq3A_290 = vector.broadcast %broadcast_in_dim3A_289 : vector<1x1x256xf32> to vector<8x8x256xf32>
      %eq3A_291 = arith.cmpf oeq, %select_n3A_284, %eq3A_290 : vector<8x8x256xf32>
      %jit3A_292 = arith.constant 3.000000e+38 : f32
      %broadcast_in_dim3A_293 = vector.broadcast %jit3A_292 : f32 to vector<8x8x256xf32>
      %select_n3A_294 = arith.select %eq3A_291, %get3A_204, %broadcast_in_dim3A_293 : vector<8x8x256xi1>, vector<8x8x256xf32>
      %reduce_min3A_295 = arith.constant dense<0x7F800000> : vector<8x256xf32>
      %reduce_min3A_296 = vector.multi_reduction <minimumf>, %select_n3A_294, %reduce_min3A_295 [0] : vector<8x8x256xf32> to vector<8x256xf32>
      %reduce_min3A_297 = arith.constant dense<0x7F800000> : vector<256xf32>
      %reduce_min3A_298 = vector.multi_reduction <minimumf>, %reduce_min3A_296, %reduce_min3A_297 [0] : vector<8x256xf32> to vector<256xf32>
      %broadcast_in_dim3A_299 = vector.shape_cast %reduce_min3A_298 : vector<256xf32> to vector<1x1x256xf32>
      %eq3A_300 = vector.broadcast %broadcast_in_dim3A_299 : vector<1x1x256xf32> to vector<8x8x256xf32>
      %eq3A_301 = arith.cmpf oeq, %get3A_204, %eq3A_300 : vector<8x8x256xf32>
      %jit3A_302 = arith.constant 0x7F800000 : f32
      %broadcast_in_dim3A_303 = vector.broadcast %jit3A_302 : f32 to vector<8x8x256xf32>
      %select_n3A_304 = arith.select %eq3A_301, %broadcast_in_dim3A_303, %select_n3A_284 : vector<8x8x256xi1>, vector<8x8x256xf32>
      %reduce_min3A_305 = arith.constant dense<0x7F800000> : vector<8x256xf32>
      %reduce_min3A_306 = vector.multi_reduction <minimumf>, %select_n3A_304, %reduce_min3A_305 [0] : vector<8x8x256xf32> to vector<8x256xf32>
      %reduce_min3A_307 = arith.constant dense<0x7F800000> : vector<256xf32>
      %reduce_min3A_308 = vector.multi_reduction <minimumf>, %reduce_min3A_306, %reduce_min3A_307 [0] : vector<8x256xf32> to vector<256xf32>
      %broadcast_in_dim3A_309 = vector.shape_cast %reduce_min3A_308 : vector<256xf32> to vector<1x1x256xf32>
      %eq3A_310 = vector.broadcast %broadcast_in_dim3A_309 : vector<1x1x256xf32> to vector<8x8x256xf32>
      %eq3A_311 = arith.cmpf oeq, %select_n3A_304, %eq3A_310 : vector<8x8x256xf32>
      %jit3A_312 = arith.constant 3.000000e+38 : f32
      %broadcast_in_dim3A_313 = vector.broadcast %jit3A_312 : f32 to vector<8x8x256xf32>
      %select_n3A_314 = arith.select %eq3A_311, %get3A_204, %broadcast_in_dim3A_313 : vector<8x8x256xi1>, vector<8x8x256xf32>
      %reduce_min3A_315 = arith.constant dense<0x7F800000> : vector<8x256xf32>
      %reduce_min3A_316 = vector.multi_reduction <minimumf>, %select_n3A_314, %reduce_min3A_315 [0] : vector<8x8x256xf32> to vector<8x256xf32>
      %reduce_min3A_317 = arith.constant dense<0x7F800000> : vector<256xf32>
      %reduce_min3A_318 = vector.multi_reduction <minimumf>, %reduce_min3A_316, %reduce_min3A_317 [0] : vector<8x256xf32> to vector<256xf32>
      %broadcast_in_dim3A_319 = vector.shape_cast %reduce_min3A_318 : vector<256xf32> to vector<1x1x256xf32>
      %eq3A_320 = vector.broadcast %broadcast_in_dim3A_319 : vector<1x1x256xf32> to vector<8x8x256xf32>
      %eq3A_321 = arith.cmpf oeq, %get3A_204, %eq3A_320 : vector<8x8x256xf32>
      %jit3A_322 = arith.constant 0x7F800000 : f32
      %broadcast_in_dim3A_323 = vector.broadcast %jit3A_322 : f32 to vector<8x8x256xf32>
      %select_n3A_324 = arith.select %eq3A_321, %broadcast_in_dim3A_323, %select_n3A_304 : vector<8x8x256xi1>, vector<8x8x256xf32>
      %reduce_min3A_325 = arith.constant dense<0x7F800000> : vector<8x256xf32>
      %reduce_min3A_326 = vector.multi_reduction <minimumf>, %select_n3A_324, %reduce_min3A_325 [0] : vector<8x8x256xf32> to vector<8x256xf32>
      %reduce_min3A_327 = arith.constant dense<0x7F800000> : vector<256xf32>
      %reduce_min3A_328 = vector.multi_reduction <minimumf>, %reduce_min3A_326, %reduce_min3A_327 [0] : vector<8x256xf32> to vector<256xf32>
      %broadcast_in_dim3A_329 = vector.shape_cast %reduce_min3A_328 : vector<256xf32> to vector<1x1x256xf32>
      %eq3A_330 = vector.broadcast %broadcast_in_dim3A_329 : vector<1x1x256xf32> to vector<8x8x256xf32>
      %eq3A_331 = arith.cmpf oeq, %select_n3A_324, %eq3A_330 : vector<8x8x256xf32>
      %jit3A_332 = arith.constant 3.000000e+38 : f32
      %broadcast_in_dim3A_333 = vector.broadcast %jit3A_332 : f32 to vector<8x8x256xf32>
      %select_n3A_334 = arith.select %eq3A_331, %get3A_204, %broadcast_in_dim3A_333 : vector<8x8x256xi1>, vector<8x8x256xf32>
      %reduce_min3A_335 = arith.constant dense<0x7F800000> : vector<8x256xf32>
      %reduce_min3A_336 = vector.multi_reduction <minimumf>, %select_n3A_334, %reduce_min3A_335 [0] : vector<8x8x256xf32> to vector<8x256xf32>
      %reduce_min3A_337 = arith.constant dense<0x7F800000> : vector<256xf32>
      %reduce_min3A_338 = vector.multi_reduction <minimumf>, %reduce_min3A_336, %reduce_min3A_337 [0] : vector<8x256xf32> to vector<256xf32>
      %broadcast_in_dim3A_339 = vector.shape_cast %reduce_min3A_338 : vector<256xf32> to vector<1x1x256xf32>
      %eq3A_340 = vector.broadcast %broadcast_in_dim3A_339 : vector<1x1x256xf32> to vector<8x8x256xf32>
      %eq3A_341 = arith.cmpf oeq, %get3A_204, %eq3A_340 : vector<8x8x256xf32>
      %jit3A_342 = arith.constant 0x7F800000 : f32
      %broadcast_in_dim3A_343 = vector.broadcast %jit3A_342 : f32 to vector<8x8x256xf32>
      %select_n3A_344 = arith.select %eq3A_341, %broadcast_in_dim3A_343, %select_n3A_324 : vector<8x8x256xi1>, vector<8x8x256xf32>
      %reduce_min3A_345 = arith.constant dense<0x7F800000> : vector<8x256xf32>
      %reduce_min3A_346 = vector.multi_reduction <minimumf>, %select_n3A_344, %reduce_min3A_345 [0] : vector<8x8x256xf32> to vector<8x256xf32>
      %reduce_min3A_347 = arith.constant dense<0x7F800000> : vector<256xf32>
      %reduce_min3A_348 = vector.multi_reduction <minimumf>, %reduce_min3A_346, %reduce_min3A_347 [0] : vector<8x256xf32> to vector<256xf32>
      %broadcast_in_dim3A_349 = vector.shape_cast %reduce_min3A_348 : vector<256xf32> to vector<1x1x256xf32>
      %eq3A_350 = vector.broadcast %broadcast_in_dim3A_349 : vector<1x1x256xf32> to vector<8x8x256xf32>
      %eq3A_351 = arith.cmpf oeq, %select_n3A_344, %eq3A_350 : vector<8x8x256xf32>
      %jit3A_352 = arith.constant 3.000000e+38 : f32
      %broadcast_in_dim3A_353 = vector.broadcast %jit3A_352 : f32 to vector<8x8x256xf32>
      %select_n3A_354 = arith.select %eq3A_351, %get3A_204, %broadcast_in_dim3A_353 : vector<8x8x256xi1>, vector<8x8x256xf32>
      %reduce_min3A_355 = arith.constant dense<0x7F800000> : vector<8x256xf32>
      %reduce_min3A_356 = vector.multi_reduction <minimumf>, %select_n3A_354, %reduce_min3A_355 [0] : vector<8x8x256xf32> to vector<8x256xf32>
      %reduce_min3A_357 = arith.constant dense<0x7F800000> : vector<256xf32>
      %reduce_min3A_358 = vector.multi_reduction <minimumf>, %reduce_min3A_356, %reduce_min3A_357 [0] : vector<8x256xf32> to vector<256xf32>
      %stack3A_359 = vector.shape_cast %reduce_min3A_218 : vector<256xf32> to vector<256x1xf32>
      %stack3A_360 = vector.shape_cast %reduce_min3A_238 : vector<256xf32> to vector<256x1xf32>
      %stack3A_361 = vector.shape_cast %reduce_min3A_258 : vector<256xf32> to vector<256x1xf32>
      %stack3A_362 = vector.shape_cast %reduce_min3A_278 : vector<256xf32> to vector<256x1xf32>
      %stack3A_363 = vector.shape_cast %reduce_min3A_298 : vector<256xf32> to vector<256x1xf32>
      %stack3A_364 = vector.shape_cast %reduce_min3A_318 : vector<256xf32> to vector<256x1xf32>
      %stack3A_365 = vector.shape_cast %reduce_min3A_338 : vector<256xf32> to vector<256x1xf32>
      %stack3A_366 = vector.shape_cast %reduce_min3A_358 : vector<256xf32> to vector<256x1xf32>
      %stack3A_367 = tpu.concatenate %stack3A_359, %stack3A_360, %stack3A_361, %stack3A_362, %stack3A_363, %stack3A_364, %stack3A_365, %stack3A_366 in 1 : vector<256x1xf32>, vector<256x1xf32>, vector<256x1xf32>, vector<256x1xf32>, vector<256x1xf32>, vector<256x1xf32>, vector<256x1xf32>, vector<256x1xf32> -> vector<256x8xf32>
      %convert_element_type3A_368 = arith.fptosi %stack3A_367 : vector<256x8xf32> to vector<256x8xi32>
      %swap3A_369 = arith.constant 0 : index
      %swap3A_370 = arith.constant 0 : index
      %swap3A_371 = vector.load %arg4[%swap3A_369, %swap3A_370] : memref<256x8xi32, #tpu.memory_space<vmem>>, vector<256x8xi32>
      tpu.vector_store %arg4[%swap3A_369, %swap3A_370], %convert_element_type3A_368 {strides = array<i32>} : memref<256x8xi32, #tpu.memory_space<vmem>>, vector<256x8xi32>,
      %stack3A_372 = vector.shape_cast %reduce_min3A_218 : vector<256xf32> to vector<1x256xf32>
      %stack3A_373 = vector.shape_cast %reduce_min3A_238 : vector<256xf32> to vector<1x256xf32>
      %stack3A_374 = vector.shape_cast %reduce_min3A_258 : vector<256xf32> to vector<1x256xf32>
      %stack3A_375 = vector.shape_cast %reduce_min3A_278 : vector<256xf32> to vector<1x256xf32>
      %stack3A_376 = vector.shape_cast %reduce_min3A_298 : vector<256xf32> to vector<1x256xf32>
      %stack3A_377 = vector.shape_cast %reduce_min3A_318 : vector<256xf32> to vector<1x256xf32>
      %stack3A_378 = vector.shape_cast %reduce_min3A_338 : vector<256xf32> to vector<1x256xf32>
      %stack3A_379 = vector.shape_cast %reduce_min3A_358 : vector<256xf32> to vector<1x256xf32>
      %stack3A_380 = tpu.concatenate %stack3A_372, %stack3A_373, %stack3A_374, %stack3A_375, %stack3A_376, %stack3A_377, %stack3A_378, %stack3A_379 in 0 : vector<1x256xf32>, vector<1x256xf32>, vector<1x256xf32>, vector<1x256xf32>, vector<1x256xf32>, vector<1x256xf32>, vector<1x256xf32>, vector<1x256xf32> -> vector<8x256xf32>
      %convert_element_type3A_381 = arith.fptosi %stack3A_380 : vector<8x256xf32> to vector<8x256xi32>
      %swap3A_382 = arith.constant 0 : index
      %swap3A_383 = arith.constant 0 : index
      %swap3A_384 = vector.load %arg5[%swap3A_382, %swap3A_383] : memref<8x256xi32, #tpu.memory_space<vmem>>, vector<8x256xi32>
      tpu.vector_store %arg5[%swap3A_382, %swap3A_383], %convert_element_type3A_381 {strides = array<i32>} : memref<8x256xi32, #tpu.memory_space<vmem>>, vector<8x256xi32>,
      %stack3A_385 = vector.shape_cast %reduce_min3A_208 : vector<256xf32> to vector<1x256xf32>
      %stack3A_386 = vector.shape_cast %reduce_min3A_228 : vector<256xf32> to vector<1x256xf32>
      %stack3A_387 = vector.shape_cast %reduce_min3A_248 : vector<256xf32> to vector<1x256xf32>
      %stack3A_388 = vector.shape_cast %reduce_min3A_268 : vector<256xf32> to vector<1x256xf32>
      %stack3A_389 = vector.shape_cast %reduce_min3A_288 : vector<256xf32> to vector<1x256xf32>
      %stack3A_390 = vector.shape_cast %reduce_min3A_308 : vector<256xf32> to vector<1x256xf32>
      %stack3A_391 = vector.shape_cast %reduce_min3A_328 : vector<256xf32> to vector<1x256xf32>
      %stack3A_392 = vector.shape_cast %reduce_min3A_348 : vector<256xf32> to vector<1x256xf32>
      %stack3A_393 = tpu.concatenate %stack3A_385, %stack3A_386, %stack3A_387, %stack3A_388, %stack3A_389, %stack3A_390, %stack3A_391, %stack3A_392 in 0 : vector<1x256xf32>, vector<1x256xf32>, vector<1x256xf32>, vector<1x256xf32>, vector<1x256xf32>, vector<1x256xf32>, vector<1x256xf32>, vector<1x256xf32> -> vector<8x256xf32>
      %div3A = arith.constant 1.000000e+01 : f32
      %div3A_394 = vector.broadcast %div3A : f32 to vector<8x256xf32>
      %div3A_395 = arith.divf %stack3A_393, %div3A_394 : vector<8x256xf32>
      %neg3A = arith.constant 0.000000e+00 : f32
      %neg3A_396 = vector.broadcast %neg3A : f32 to vector<8x256xf32>
      %neg3A_397 = arith.subf %neg3A_396, %div3A_395 : vector<8x256xf32>
      %exp3A = math.exp %neg3A_397 : vector<8x256xf32>
      %swap3A_398 = arith.constant 0 : index
      %swap3A_399 = arith.constant 0 : index
      %swap3A_400 = arith.constant 0 : index
      %swap3A_401 = vector.load %arg6[%swap3A_398, %swap3A_399, %swap3A_400] : memref<8x2x256xf32, #tpu.memory_space<vmem>>, vector<8x1x256xf32>
      %swap3A_402 = vector.shape_cast %swap3A_401 : vector<8x1x256xf32> to vector<8x256xf32>
      %swap3A_403 = vector.shape_cast %exp3A : vector<8x256xf32> to vector<8x1x256xf32>
      tpu.vector_store %arg6[%swap3A_398, %swap3A_399, %swap3A_400], %swap3A_403 {strides = array<i32>} : memref<8x2x256xf32, #tpu.memory_space<vmem>>, vector<8x1x256xf32>,
      %swap3A_404 = arith.constant 0 : index
      %swap3A_405 = arith.constant 1 : index
      %swap3A_406 = arith.constant 0 : index
      %swap3A_407 = vector.load %arg6[%swap3A_404, %swap3A_405, %swap3A_406] : memref<8x2x256xf32, #tpu.memory_space<vmem>>, vector<8x1x256xf32>
      %swap3A_408 = vector.shape_cast %swap3A_407 : vector<8x1x256xf32> to vector<8x256xf32>
      %swap3A_409 = vector.shape_cast %exp3A : vector<8x256xf32> to vector<8x1x256xf32>
      tpu.vector_store %arg6[%swap3A_404, %swap3A_405, %swap3A_406], %swap3A_409 {strides = array<i32>} : memref<8x2x256xf32, #tpu.memory_space<vmem>>, vector<8x1x256xf32>,
    } else {
    }
    return
  }
  func.func @transform_0(%arg0: i32, %arg1: i32) -> (i32, i32) {
    %c0_i32 = arith.constant 0 : i32
    %c0_i32_0 = arith.constant 0 : i32
    return %arg0, %c0_i32 : i32, i32
  }
  func.func @transform_1(%arg0: i32, %arg1: i32) -> (i32, i32) {
    %c0_i32 = arith.constant 0 : i32
    %c0_i32_0 = arith.constant 0 : i32
    return %arg1, %c0_i32 : i32, i32
  }
  func.func @transform_2(%arg0: i32, %arg1: i32) -> (i32, i32) {
    %c0_i32 = arith.constant 0 : i32
    %c0_i32_0 = arith.constant 0 : i32
    return %arg0, %c0_i32 : i32, i32
  }
  func.func @transform_3(%arg0: i32, %arg1: i32) -> (i32, i32) {
    %c0_i32 = arith.constant 0 : i32
    %c0_i32_0 = arith.constant 0 : i32
    return %c0_i32, %arg0 : i32, i32
  }
  func.func @transform_4(%arg0: i32, %arg1: i32) -> (i32, i32, i32) {
    %c0_i32 = arith.constant 0 : i32
    %c0_i32_0 = arith.constant 0 : i32
    %c0_i32_1 = arith.constant 0 : i32
    return %c0_i32, %c0_i32_0, %arg0 : i32, i32, i32
  }
}

module attributes {stable_mosaic.version = 14 : i64} {
  func.func @_diff_body(%arg0: i32, %arg1: memref<256x256xf32, #tpu.memory_space<vmem>>, %arg2: memref<8x256x256xf32, #tpu.memory_space<vmem>>, %arg3: memref<2048x2x256xf32, #tpu.memory_space<vmem>>) attributes {dimension_semantics = [#tpu.dimension_semantics<arbitrary>], iteration_bounds = array<i64: 8>, scalar_prefetch = 0 : i64, scratch_operands = 0 : i64, tpu.core_type = #tpu.core_type<tc>, window_params = [{transform_indices = @transform_0, window_bounds = array<i64: 256, 256>}, {transform_indices = @transform_1, window_bounds = array<i64: 8, 256, 256>}, {transform_indices = @transform_2, window_bounds = array<i64: 2048, 2, 256>}]} {
    %get3A = arith.constant 0 : index
    %get3A_0 = arith.constant 0 : index
    %get3A_1 = vector.load %arg1[%get3A, %get3A_0] : memref<256x256xf32, #tpu.memory_space<vmem>>, vector<256x256xf32>
    %get3A_2 = arith.constant 0 : index
    %get3A_3 = arith.constant 0 : index
    %get3A_4 = arith.constant 0 : index
    %get3A_5 = vector.load %arg2[%get3A_2, %get3A_3, %get3A_4] : memref<8x256x256xf32, #tpu.memory_space<vmem>>, vector<1x256x256xf32>
    %get3A_6 = vector.shape_cast %get3A_5 : vector<1x256x256xf32> to vector<256x256xf32>
    %sub3A = arith.subf %get3A_1, %get3A_6 : vector<256x256xf32>
    %abs3A = math.absf %sub3A : vector<256x256xf32>
    %transpose3A = tpu.transpose %abs3A, [1, 0] : vector<256x256xf32> -> vector<256x256xf32>
    %broadcast_in_dim3A = vector.shape_cast %transpose3A : vector<256x256xf32> to vector<256x1x256xf32>
    %broadcast_in_dim3A_7 = vector.shape_cast %broadcast_in_dim3A : vector<256x1x256xf32> to vector<256x1x256xf32>
    %broadcast_in_dim3A_8 = vector.broadcast %broadcast_in_dim3A_7 : vector<256x1x256xf32> to vector<256x2x256xf32>
    %swap3A = arith.constant 0 : index
    %swap3A_9 = arith.constant 0 : index
    %swap3A_10 = arith.constant 0 : index
    %swap3A_11 = vector.load %arg3[%swap3A, %swap3A_9, %swap3A_10] : memref<2048x2x256xf32, #tpu.memory_space<vmem>>, vector<256x2x256xf32>
    tpu.vector_store %arg3[%swap3A, %swap3A_9, %swap3A_10], %broadcast_in_dim3A_8 {strides = array<i32>} : memref<2048x2x256xf32, #tpu.memory_space<vmem>>, vector<256x2x256xf32>,
    %get3A_12 = arith.constant 1 : index
    %get3A_13 = arith.constant 0 : index
    %get3A_14 = arith.constant 0 : index
    %get3A_15 = vector.load %arg2[%get3A_12, %get3A_13, %get3A_14] : memref<8x256x256xf32, #tpu.memory_space<vmem>>, vector<1x256x256xf32>
    %get3A_16 = vector.shape_cast %get3A_15 : vector<1x256x256xf32> to vector<256x256xf32>
    %sub3A_17 = arith.subf %get3A_1, %get3A_16 : vector<256x256xf32>
    %abs3A_18 = math.absf %sub3A_17 : vector<256x256xf32>
    %transpose3A_19 = tpu.transpose %abs3A_18, [1, 0] : vector<256x256xf32> -> vector<256x256xf32>
    %broadcast_in_dim3A_20 = vector.shape_cast %transpose3A_19 : vector<256x256xf32> to vector<256x1x256xf32>
    %broadcast_in_dim3A_21 = vector.shape_cast %broadcast_in_dim3A_20 : vector<256x1x256xf32> to vector<256x1x256xf32>
    %broadcast_in_dim3A_22 = vector.broadcast %broadcast_in_dim3A_21 : vector<256x1x256xf32> to vector<256x2x256xf32>
    %swap3A_23 = arith.constant 256 : index
    %swap3A_24 = arith.constant 0 : index
    %swap3A_25 = arith.constant 0 : index
    %swap3A_26 = vector.load %arg3[%swap3A_23, %swap3A_24, %swap3A_25] : memref<2048x2x256xf32, #tpu.memory_space<vmem>>, vector<256x2x256xf32>
    tpu.vector_store %arg3[%swap3A_23, %swap3A_24, %swap3A_25], %broadcast_in_dim3A_22 {strides = array<i32>} : memref<2048x2x256xf32, #tpu.memory_space<vmem>>, vector<256x2x256xf32>,
    %get3A_27 = arith.constant 2 : index
    %get3A_28 = arith.constant 0 : index
    %get3A_29 = arith.constant 0 : index
    %get3A_30 = vector.load %arg2[%get3A_27, %get3A_28, %get3A_29] : memref<8x256x256xf32, #tpu.memory_space<vmem>>, vector<1x256x256xf32>
    %get3A_31 = vector.shape_cast %get3A_30 : vector<1x256x256xf32> to vector<256x256xf32>
    %sub3A_32 = arith.subf %get3A_1, %get3A_31 : vector<256x256xf32>
    %abs3A_33 = math.absf %sub3A_32 : vector<256x256xf32>
    %transpose3A_34 = tpu.transpose %abs3A_33, [1, 0] : vector<256x256xf32> -> vector<256x256xf32>
    %broadcast_in_dim3A_35 = vector.shape_cast %transpose3A_34 : vector<256x256xf32> to vector<256x1x256xf32>
    %broadcast_in_dim3A_36 = vector.shape_cast %broadcast_in_dim3A_35 : vector<256x1x256xf32> to vector<256x1x256xf32>
    %broadcast_in_dim3A_37 = vector.broadcast %broadcast_in_dim3A_36 : vector<256x1x256xf32> to vector<256x2x256xf32>
    %swap3A_38 = arith.constant 512 : index
    %swap3A_39 = arith.constant 0 : index
    %swap3A_40 = arith.constant 0 : index
    %swap3A_41 = vector.load %arg3[%swap3A_38, %swap3A_39, %swap3A_40] : memref<2048x2x256xf32, #tpu.memory_space<vmem>>, vector<256x2x256xf32>
    tpu.vector_store %arg3[%swap3A_38, %swap3A_39, %swap3A_40], %broadcast_in_dim3A_37 {strides = array<i32>} : memref<2048x2x256xf32, #tpu.memory_space<vmem>>, vector<256x2x256xf32>,
    %get3A_42 = arith.constant 3 : index
    %get3A_43 = arith.constant 0 : index
    %get3A_44 = arith.constant 0 : index
    %get3A_45 = vector.load %arg2[%get3A_42, %get3A_43, %get3A_44] : memref<8x256x256xf32, #tpu.memory_space<vmem>>, vector<1x256x256xf32>
    %get3A_46 = vector.shape_cast %get3A_45 : vector<1x256x256xf32> to vector<256x256xf32>
    %sub3A_47 = arith.subf %get3A_1, %get3A_46 : vector<256x256xf32>
    %abs3A_48 = math.absf %sub3A_47 : vector<256x256xf32>
    %transpose3A_49 = tpu.transpose %abs3A_48, [1, 0] : vector<256x256xf32> -> vector<256x256xf32>
    %broadcast_in_dim3A_50 = vector.shape_cast %transpose3A_49 : vector<256x256xf32> to vector<256x1x256xf32>
    %broadcast_in_dim3A_51 = vector.shape_cast %broadcast_in_dim3A_50 : vector<256x1x256xf32> to vector<256x1x256xf32>
    %broadcast_in_dim3A_52 = vector.broadcast %broadcast_in_dim3A_51 : vector<256x1x256xf32> to vector<256x2x256xf32>
    %swap3A_53 = arith.constant 768 : index
    %swap3A_54 = arith.constant 0 : index
    %swap3A_55 = arith.constant 0 : index
    %swap3A_56 = vector.load %arg3[%swap3A_53, %swap3A_54, %swap3A_55] : memref<2048x2x256xf32, #tpu.memory_space<vmem>>, vector<256x2x256xf32>
    tpu.vector_store %arg3[%swap3A_53, %swap3A_54, %swap3A_55], %broadcast_in_dim3A_52 {strides = array<i32>} : memref<2048x2x256xf32, #tpu.memory_space<vmem>>, vector<256x2x256xf32>,
    %get3A_57 = arith.constant 4 : index
    %get3A_58 = arith.constant 0 : index
    %get3A_59 = arith.constant 0 : index
    %get3A_60 = vector.load %arg2[%get3A_57, %get3A_58, %get3A_59] : memref<8x256x256xf32, #tpu.memory_space<vmem>>, vector<1x256x256xf32>
    %get3A_61 = vector.shape_cast %get3A_60 : vector<1x256x256xf32> to vector<256x256xf32>
    %sub3A_62 = arith.subf %get3A_1, %get3A_61 : vector<256x256xf32>
    %abs3A_63 = math.absf %sub3A_62 : vector<256x256xf32>
    %transpose3A_64 = tpu.transpose %abs3A_63, [1, 0] : vector<256x256xf32> -> vector<256x256xf32>
    %broadcast_in_dim3A_65 = vector.shape_cast %transpose3A_64 : vector<256x256xf32> to vector<256x1x256xf32>
    %broadcast_in_dim3A_66 = vector.shape_cast %broadcast_in_dim3A_65 : vector<256x1x256xf32> to vector<256x1x256xf32>
    %broadcast_in_dim3A_67 = vector.broadcast %broadcast_in_dim3A_66 : vector<256x1x256xf32> to vector<256x2x256xf32>
    %swap3A_68 = arith.constant 1024 : index
    %swap3A_69 = arith.constant 0 : index
    %swap3A_70 = arith.constant 0 : index
    %swap3A_71 = vector.load %arg3[%swap3A_68, %swap3A_69, %swap3A_70] : memref<2048x2x256xf32, #tpu.memory_space<vmem>>, vector<256x2x256xf32>
    tpu.vector_store %arg3[%swap3A_68, %swap3A_69, %swap3A_70], %broadcast_in_dim3A_67 {strides = array<i32>} : memref<2048x2x256xf32, #tpu.memory_space<vmem>>, vector<256x2x256xf32>,
    %get3A_72 = arith.constant 5 : index
    %get3A_73 = arith.constant 0 : index
    %get3A_74 = arith.constant 0 : index
    %get3A_75 = vector.load %arg2[%get3A_72, %get3A_73, %get3A_74] : memref<8x256x256xf32, #tpu.memory_space<vmem>>, vector<1x256x256xf32>
    %get3A_76 = vector.shape_cast %get3A_75 : vector<1x256x256xf32> to vector<256x256xf32>
    %sub3A_77 = arith.subf %get3A_1, %get3A_76 : vector<256x256xf32>
    %abs3A_78 = math.absf %sub3A_77 : vector<256x256xf32>
    %transpose3A_79 = tpu.transpose %abs3A_78, [1, 0] : vector<256x256xf32> -> vector<256x256xf32>
    %broadcast_in_dim3A_80 = vector.shape_cast %transpose3A_79 : vector<256x256xf32> to vector<256x1x256xf32>
    %broadcast_in_dim3A_81 = vector.shape_cast %broadcast_in_dim3A_80 : vector<256x1x256xf32> to vector<256x1x256xf32>
    %broadcast_in_dim3A_82 = vector.broadcast %broadcast_in_dim3A_81 : vector<256x1x256xf32> to vector<256x2x256xf32>
    %swap3A_83 = arith.constant 1280 : index
    %swap3A_84 = arith.constant 0 : index
    %swap3A_85 = arith.constant 0 : index
    %swap3A_86 = vector.load %arg3[%swap3A_83, %swap3A_84, %swap3A_85] : memref<2048x2x256xf32, #tpu.memory_space<vmem>>, vector<256x2x256xf32>
    tpu.vector_store %arg3[%swap3A_83, %swap3A_84, %swap3A_85], %broadcast_in_dim3A_82 {strides = array<i32>} : memref<2048x2x256xf32, #tpu.memory_space<vmem>>, vector<256x2x256xf32>,
    %get3A_87 = arith.constant 6 : index
    %get3A_88 = arith.constant 0 : index
    %get3A_89 = arith.constant 0 : index
    %get3A_90 = vector.load %arg2[%get3A_87, %get3A_88, %get3A_89] : memref<8x256x256xf32, #tpu.memory_space<vmem>>, vector<1x256x256xf32>
    %get3A_91 = vector.shape_cast %get3A_90 : vector<1x256x256xf32> to vector<256x256xf32>
    %sub3A_92 = arith.subf %get3A_1, %get3A_91 : vector<256x256xf32>
    %abs3A_93 = math.absf %sub3A_92 : vector<256x256xf32>
    %transpose3A_94 = tpu.transpose %abs3A_93, [1, 0] : vector<256x256xf32> -> vector<256x256xf32>
    %broadcast_in_dim3A_95 = vector.shape_cast %transpose3A_94 : vector<256x256xf32> to vector<256x1x256xf32>
    %broadcast_in_dim3A_96 = vector.shape_cast %broadcast_in_dim3A_95 : vector<256x1x256xf32> to vector<256x1x256xf32>
    %broadcast_in_dim3A_97 = vector.broadcast %broadcast_in_dim3A_96 : vector<256x1x256xf32> to vector<256x2x256xf32>
    %swap3A_98 = arith.constant 1536 : index
    %swap3A_99 = arith.constant 0 : index
    %swap3A_100 = arith.constant 0 : index
    %swap3A_101 = vector.load %arg3[%swap3A_98, %swap3A_99, %swap3A_100] : memref<2048x2x256xf32, #tpu.memory_space<vmem>>, vector<256x2x256xf32>
    tpu.vector_store %arg3[%swap3A_98, %swap3A_99, %swap3A_100], %broadcast_in_dim3A_97 {strides = array<i32>} : memref<2048x2x256xf32, #tpu.memory_space<vmem>>, vector<256x2x256xf32>,
    %get3A_102 = arith.constant 7 : index
    %get3A_103 = arith.constant 0 : index
    %get3A_104 = arith.constant 0 : index
    %get3A_105 = vector.load %arg2[%get3A_102, %get3A_103, %get3A_104] : memref<8x256x256xf32, #tpu.memory_space<vmem>>, vector<1x256x256xf32>
    %get3A_106 = vector.shape_cast %get3A_105 : vector<1x256x256xf32> to vector<256x256xf32>
    %sub3A_107 = arith.subf %get3A_1, %get3A_106 : vector<256x256xf32>
    %abs3A_108 = math.absf %sub3A_107 : vector<256x256xf32>
    %transpose3A_109 = tpu.transpose %abs3A_108, [1, 0] : vector<256x256xf32> -> vector<256x256xf32>
    %broadcast_in_dim3A_110 = vector.shape_cast %transpose3A_109 : vector<256x256xf32> to vector<256x1x256xf32>
    %broadcast_in_dim3A_111 = vector.shape_cast %broadcast_in_dim3A_110 : vector<256x1x256xf32> to vector<256x1x256xf32>
    %broadcast_in_dim3A_112 = vector.broadcast %broadcast_in_dim3A_111 : vector<256x1x256xf32> to vector<256x2x256xf32>
    %swap3A_113 = arith.constant 1792 : index
    %swap3A_114 = arith.constant 0 : index
    %swap3A_115 = arith.constant 0 : index
    %swap3A_116 = vector.load %arg3[%swap3A_113, %swap3A_114, %swap3A_115] : memref<2048x2x256xf32, #tpu.memory_space<vmem>>, vector<256x2x256xf32>
    tpu.vector_store %arg3[%swap3A_113, %swap3A_114, %swap3A_115], %broadcast_in_dim3A_112 {strides = array<i32>} : memref<2048x2x256xf32, #tpu.memory_space<vmem>>, vector<256x2x256xf32>,
    return
  }
  func.func @transform_0(%arg0: i32) -> (i32, i32) {
    %c0_i32 = arith.constant 0 : i32
    %c0_i32_0 = arith.constant 0 : i32
    return %arg0, %c0_i32 : i32, i32
  }
  func.func @transform_1(%arg0: i32) -> (i32, i32, i32) {
    %c0_i32 = arith.constant 0 : i32
    %c0_i32_0 = arith.constant 0 : i32
    %c0_i32_1 = arith.constant 0 : i32
    return %c0_i32, %arg0, %c0_i32_0 : i32, i32, i32
  }
  func.func @transform_2(%arg0: i32) -> (i32, i32, i32) {
    %c0_i32 = arith.constant 0 : i32
    %c0_i32_0 = arith.constant 0 : i32
    %c0_i32_1 = arith.constant 0 : i32
    return %c0_i32, %c0_i32_0, %arg0 : i32, i32, i32
  }
}

</mosaic_0001>

<sc_bundles>
// kernel: kernel.5.cloned.1.call-start
scs
__scs_entry_jumppad:
0x0: {  	(pc) =	sbr.rel $0x88, $3  }
0x1: {  	(tag) =	ssettag $0x0;
	lr =	simm.s32 $0x1  }
0x2: {  	[smem:$0x3F9F] =	sst lr;
	_ =	strace $0xD0000000  }
0x3: {  	_ = 	snop  }
0x4: {  	_ = 	snop  }
0x5: {  	_ = 	snop  }
0x6: {  	_ = 	snop  }
0x7: {  	_ = 	snop  }
__scs_overlays_trampoline_lowered:
0x8: {  	[smem:$0x3FAE] =	sst s0  }
0x9: {  	[smem:$0x3FAF] =	sst s1  }
0xa: {  	[smem:$0x3FB0] =	sst s2  }
0xb: {  	[smem:$0x3FB1] =	sst s3  }
0xc: {  	[smem:$0x3FB2] =	sst s4  }
0xd: {  	[smem:$0x3FB3] =	sst s5  }
0xe: {  	[smem:$0x3FB4] =	sst s6  }
0xf: {  	[smem:$0x3FB5] =	sst s7  }
0x10: {  	[smem:$0x3FB6] =	sst s8  }
0x11: {  	[smem:$0x3FB7] =	sst s9;
	s0 =	simm.s32 @!p0 $0x0  }
0x12: {  	s1 =	sld [smem:$0x3F9D];
	s0 =	simm.s32 @p0 $0x1  }
0x13: {  	[smem:$0x3FB8] =	sst s0;
	s0 =	simm.s32 @!p1 $0x0  }
0x14: {  	s2 =	sld [smem:$0x3F9C];
	s0 =	simm.s32 @p1 $0x1  }
0x15: {  	[smem:$0x3FB9] =	sst s0;
	s0 =	simm.s32 @!p2 $0x0  }
0x16: {  	s3 =	sld [smem:$0x3FDB];
	s0 =	simm.s32 @p2 $0x1  }
0x17: {  	s4 =	simm.s32 $0x1BF5;
	[smem:$0x3FBB] =	sst s0  }
0x18: {  	s0 =	sld [smem:$0x3F9E];
	_ =	swait.ge [sflag:s4], $0x0  }
0x19: {  	s7 =	sld [smem:$0x3F9F]  }
0x1a: {  	s8 =	sadd.s32 $0xFFFFE003, lr  }
0x1b: {  	s9 =	sadd.s32 $0xFFFFFEF7, lr;
	s5 =	simm.s32 $0xFFFFFFFF;
	p2 =	slt.u32 s8, $0xFFFFF086  }
0x1c: {  	p1 =	slt.u32 s9, $0xF7A;
	s5 =	simm.s32 @!p2 $0x0  }
0x1d: {  	s5 =	simm.s32 @p1 $0x1;
	p0 =	seq.s32 s7, s2  }
0x1e: {  	s7 =	smul.u32 @!p0 $0xF7A, s2;
	p2 =	seq.s32 @!p0 s5, $0x0  }
0x1f: {  	s9 =	smul.u32 $0xF7A, s1;
	s8 =	simm.s32 @!p0 $0x1BF5;
	p2 =	por !p2, p0  }
0x20: {  	[sflag:s8] =	ssyncset.s32 @!p0 $0xFFFFF086;
	s6 =	sadd.s32 @!p0 s3, s7;
	s7 =	simm.s32 @!p0 $0x108  }
0x21: {  	s3 =	sadd.s32 s3, s9;
	s6 =	sadd.s32 @!p0 $0x88, s6;
	s7 =	simm.s32 @p2 $0x1082  }
0x22: {  	[simem:s7], [sflag:s8] =	dma.local @!p0 [hbm:s6], $0xF7A  }
0x23: {  	s9 =	sor.u32 $0xD0000000, s2;
	s6 =	simm.s32 $0x108;
	_ =	swait.ge @!p0 [sflag:s8], $0x0  }
0x24: {  	s3 =	sadd.s32 $0x88, s3;
	s6 =	simm.s32 @!p1 $0x1082;
	[sflag:s4] =	ssyncset.s32 $0xFFFFF086  }
0x25: {  	[simem:s6], [sflag:s4] =	dma.local [hbm:s3], $0xF7A  }
0x26: {  	[smem:$0x3F9F] =	sst s1;
	(tag) =	ssettag s2;
	_ =	strace s9  }
0x27: {  	s1 =	sld [smem:$0x3FAF]  }
0x28: {  	s2 =	sld [smem:$0x3FB0]  }
0x29: {  	s4 =	sld [smem:$0x3FB2]  }
0x2a: {  	p0 =	seq.s32 s5, $0x0;
	s5 =	sld [smem:$0x3FB3]  }
0x2b: {  	s6 =	sld [smem:$0x3FB4]  }
0x2c: {  	s7 =	sld [smem:$0x3FB5]  }
0x2d: {  	s3 =	simm.s32 $0x108;
	s8 =	sld [smem:$0x3FB6]  }
0x2e: {  	s3 =	simm.s32 @!p0 $0x1082;
	s9 =	sld [smem:$0x3FB7]  }
0x2f: {  	lr =	sadd.s32 s0, s3;
	s0 =	sld [smem:$0x3FAE]  }
0x30: {  	s3 =	sld [smem:$0x3FB1]  }
0x31: {  	[smem:$0x3FBA] =	sst s10  }
0x32: {  	s10 =	sld [smem:$0x3FB8];
	_ =	sdelay $0x3  }
0x33: {  	p0 =	seq.s32 s10, $0x1;
	s10 =	sld [smem:$0x3FBA];
	_ =	sdelay $0x3  }
0x34: {  	[smem:$0x3FBA] =	sst s10  }
0x35: {  	s10 =	sld [smem:$0x3FB9];
	_ =	sdelay $0x3  }
0x36: {  	p1 =	seq.s32 s10, $0x1;
	s10 =	sld [smem:$0x3FBA];
	_ =	sdelay $0x3  }
0x37: {  	[smem:$0x3FBA] =	sst s10  }
0x38: {  	s10 =	sld [smem:$0x3FBB]  }
0x39: {  	_ = 	snop;
	(pc) =	sbr.ind lr, $3  }
0x3a: {  	_ = 	snop  }
0x3b: {  	_ = 	snop  }
0x3c: {  	p2 =	seq.s32 s10, $0x1;
	s10 =	sld [smem:$0x3FBA]  }
0x3d: {  	_ =	shalt  }
0x3e: {  	_ =	shalt  }
0x3f: {  	_ =	shalt  }
0x40: {  	_ =	shalt  }
0x41: {  	_ =	shalt  }
0x42: {  	_ =	shalt  }
0x43: {  	_ =	shalt  }
0x44: {  	_ =	shalt  }
0x45: {  	_ =	shalt  }
0x46: {  	_ =	shalt  }
0x47: {  	_ =	shalt  }
0x48: {  	_ =	shalt  }
0x49: {  	_ =	shalt  }
0x4a: {  	_ =	shalt  }
0x4b: {  	_ =	shalt  }
0x4c: {  	_ =	shalt  }
0x4d: {  	_ =	shalt  }
0x4e: {  	_ =	shalt  }
0x4f: {  	_ =	shalt  }
0x50: {  	_ =	shalt  }
0x51: {  	_ =	shalt  }
0x52: {  	_ =	shalt  }
0x53: {  	_ =	shalt  }
0x54: {  	_ =	shalt  }
0x55: {  	_ =	shalt  }
0x56: {  	_ =	shalt  }
0x57: {  	_ =	shalt  }
0x58: {  	_ =	shalt  }
0x59: {  	_ =	shalt  }
0x5a: {  	_ =	shalt  }
0x5b: {  	_ =	shalt  }
0x5c: {  	_ =	shalt  }
0x5d: {  	_ =	shalt  }
0x5e: {  	_ =	shalt  }
0x5f: {  	_ =	shalt  }
0x60: {  	_ =	shalt  }
0x61: {  	_ =	shalt  }
0x62: {  	_ =	shalt  }
0x63: {  	_ =	shalt  }
0x64: {  	_ =	shalt  }
0x65: {  	_ =	shalt  }
0x66: {  	_ =	shalt  }
0x67: {  	_ =	shalt  }
0x68: {  	_ =	shalt  }
0x69: {  	_ =	shalt  }
0x6a: {  	_ =	shalt  }
0x6b: {  	_ =	shalt  }
0x6c: {  	_ =	shalt  }
0x6d: {  	_ =	shalt  }
0x6e: {  	_ =	shalt  }
0x6f: {  	_ =	shalt  }
0x70: {  	_ =	shalt  }
0x71: {  	_ =	shalt  }
0x72: {  	_ =	shalt  }
0x73: {  	_ =	shalt  }
0x74: {  	_ =	shalt  }
0x75: {  	_ =	shalt  }
0x76: {  	_ =	shalt  }
0x77: {  	_ =	shalt  }
0x78: {  	_ =	shalt  }
0x79: {  	_ =	shalt  }
0x7a: {  	_ =	shalt  }
0x7b: {  	_ =	shalt  }
0x7c: {  	_ =	shalt  }
0x7d: {  	_ =	shalt  }
0x7e: {  	_ =	shalt  }
0x7f: {  	_ =	shalt  }
0x80: {  	_ =	shalt  }
0x81: {  	_ =	shalt  }
0x82: {  	_ =	shalt  }
0x83: {  	_ =	shalt  }
0x84: {  	_ =	shalt  }
0x85: {  	_ =	shalt  }
0x86: {  	_ =	shalt  }
0x87: {  	_ =	shalt  }
.Lfunc_end0:
.L_simem_size_0:
called_computation_lowered:
.L_overlay_start_0:
0x88: {  	s2 =	sld [smem:$0x3FD9]  }
0x89: {  	s3 =	sld [smem:$0x3FFE];
	_ =	sdelay $0x1  }
0x8a: {  	s1 =	srdreg.scid  }
0x8b: {  	s0 =	sand.u32 $0x1, s1  }
0x8c: {  	s14 =	sshll.u32 s0, $0xA;
	s2 =	sadd.s32 s3, s2  }
0x8d: {  	s2 =	sadd.s32 s2, s14  }
0x8e: {  	[smem:$0x3FC6] =	sst s2  }
0x8f: {  	_ = 	snop  }
0x90: {  	s2 =	sld [smem:$0x3FD0];
	_ =	sdelay $0x2  }
0x91: {  	s4 =	simm.s32 $0xA;
	s5 =	simm.s32 $0x10;
	s15 =	sld [smem:$0x3FC9]  }
0x92: {  	[smem:s5], [sflag:s4] =	dma.local [hbm:s2], $0x1  }
0x93: {  	_ =	swait.eq [sflag:s4], $0x1  }
0x94: {  	[sflag:s4] =	ssyncset.done $0x0  }
0x95: {  	[sflag:s4] =	ssyncadd.s32 $0xFFFFFFFF  }
0x96: {  	s16 =	sld [smem:$0x12];
	(tm) =	ssettm $0x1  }
0x97: {  	s17 =	sld [smem:$0x3FFB];
	_ =	sdelay $0x3  }
0x98: {  	_ =	strace s17  }
0x99: {  	s4 =	sld [smem:$0x3FFC];
	_ =	sdelay $0x3  }
0x9a: {  	_ =	strace s4  }
0x9b: {  	s4 =	sld [smem:$0x3FFD];
	_ =	sdelay $0x3  }
0x9c: {  	_ =	strace s4  }
0x9d: {  	_ =	strace $0x8FFFFFFF  }
0x9e: {  	s18 =	sld [smem:$0x3FDB];
	_ =	sdelay $0x1  }
0x9f: {  	s19 =	simm.s32 $_scs_section_size  }
0xa0: {  	s6 =	simm.s32 $_size__tile_overlayer_lowered;
	s7 =	simm.s32 $_tile_overlayer_lowered  }
0xa1: {  	s22 =	simm.s32 $0x1BFF;
	s21 =	sshll.u32 s7, $0x1;
	s4 =	sadd.s32 s19, s18  }
0xa2: {  	s8 =	simm.s32 $0x0;
	s20 =	sshll.u32 s6, $0x1;
	s6 =	sadd.s32 s21, s4  }
0xa3: {  	[timem:s8], [sflag:s22] =	dma.local [hbm:s6], s20  }
0xa4: {  	_ =	swait.ge [sflag:s22], s20  }
0xa5: {  	s5 =	ssub.s32 $0x0, s20;
	[sflag:s22] =	ssyncset.done $0x0  }
0xa6: {  	[sflag:s22] =	ssyncadd.s32 s5;
	_ =	sdelay $0x1  }
0xa7: {  	s23 =	simm.s32 $0x1B8B  }
0xa8: {  	_ =	swait.ge [sflag:s23], $0x1  }
0xa9: {  	[sflag:s23] =	ssyncset.done $0x0  }
0xaa: {  	s25 =	simm.s32 $0x1B8E;
	s24 =	sld [smem:$0x3FFE];
	[sflag:s23] =	ssyncadd.s32 $0xFFFFFFFF  }
0xab: {  	s26 =	simm.s32 $execute0_lowered;
	[smem:$0x3FD2] =	sst s25  }
0xac: {  	s6 =	sshll.u32 s26, $0x1;
	_ =	strace $0x80000046;
	[dreg:$0x1] =	wrdreg $0xFFFFFFFF  }
0xad: {  	s28 =	simm.s32 $_size_execute0_lowered;
	s4 =	sadd.s32 s4, s6;
	[dreg:$0x0] =	wrdreg $0x0  }
0xae: {  	s6 =	sshll.u32 s28, $0x1;
	[dreg:$0x2] =	wrdreg s4  }
0xaf: {  	[dreg:$0x3] =	wrdreg s6  }
0xb0: {  	[dreg:$0x4] =	wrdreg $0xC0  }
0xb1: {  	_ =	task [dreg:s8], $0x5FFFF  }
0xb2: {  	[dreg:$0x1] =	wrdreg $0xFFFFFFFF  }
0xb3: {  	[dreg:$0x0] =	wrdreg $0x60  }
0xb4: {  	[dreg:$0x2] =	wrdreg s15  }
0xb5: {  	[dreg:$0x3] =	wrdreg s24  }
0xb6: {  	[dreg:$0x4] =	wrdreg s16  }
0xb7: {  	[dreg:$0x5] =	wrdreg $0x9  }
0xb8: {  	_ =	task.clear_ibuf [dreg:s8], $0x6FFFF;
	_ =	strace $0x90000046  }
0xb9: {  	s29 =	simm.s32 $0x9;
	_ =	strace $0x80000048  }
0xba: {  	_ =	swait.ge [sflag:s29], $0x1  }
0xbb: {  	[sflag:s29] =	ssyncadd.s32 $0xFFFFFFFF  }
0xbc: {  	_ =	strace $0x90000048  }
0xbd: {  	_ =	sfence  }
0xbe: {  	s30 =	sld [smem:$0x0];
	_ =	sdelay $0x2  }
0xbf: {  	s31 =	sshll.u32 s1, $0xD;
	s1 =	sshrl.u32 s1, $0x2  }
0xc0: {  	s3 =	sand.u32 $0x4000, s31;
	s1 =	sadd.s32 s1, s30  }
0xc1: {  	s0 =	sor.u32 s3, s0;
	s1 =	sshll.u32 s1, $0x11  }
0xc2: {  	s0 =	sor.u32 s1, s0  }
0xc3: {  	s0 =	sadd.s32 $0x8F2B, s0  }
0xc4: {  	[sflag:s0] =	ssyncadd.remote.s32 $0x1  }
0xc5: {  	_ =	sfence.sel $0xFFFF  }
0xc6: {  	[dreg:$0x0] =	wrdreg $0xFFFFFFFF;
	(pc) =	sbr.abs _section_cstart, $3  }
0xc7: {  	[dreg:$0x1] =	wrdreg $0xFFFFFFFF  }
0xc8: {  	_ =	task.clear_ibuf [dreg:s8], $0x2FFFF;
	_ =	strace $0x9FFFFFFF  }
0xc9: {  	(tm) =	ssettm $0x7FFFFFFF  }
tec
execute0_lowered:
.L_overlay_start_1:
0x0: {  	(tag) =	ssettag $0x1  }
0x1: {  	s1 =	rddreg [dreg:$0x0]  }
0x2: {  	s0 =	rddreg [dreg:$0x1];
	s2 =	srdreg.scid  }
0x3: {  	s4 =	rddreg [dreg:$0x2];
	s3 =	simm.s32 $0x0;
	s6 =	stileid.u32  }
0x4: {  	s15 =	simm.s32 $0x3;
	s16 =	simm.s32 $0x2;
	s17 =	simm.s32 $0x4  }
0x5: {  	s19 =	simm.s32 $0x1200;
	s20 =	simm.s32 $0x1A00;
	s28 =	simm.s32 $0x4A00  }
0x6: {  	s29 =	simm.s32 $0x5200;
	s30 =	simm.s32 $0x5A00;
	s31 =	simm.s32 $0x6200  }
0x7: {  	s8 =	simm.s32 $0x7A00;
	s14 =	simm.s32 $0x8200;
	s9 =	simm.s32 $0x8A00  }
0x8: {  	s10 =	simm.s32 $0x9200;
	s11 =	simm.s32 $0x9A00;
	s13 =	simm.s32 $0xAA00  }
0x9: {  	s2 =	sand.u32 $0x1, s2;
	s21 =	sshll.u32 s6, $0x7;
	s6 =	sshll.u32 s6, $0xF  }
0xa: {  	[smem:$0x7FF] =	sst s3;
	s5 =	sshll.u32 s2, $0x6;
	s7 =	sshll.u32 s2, $0xE  }
0xb: {  	_ =	strace $0x80000047;
	s2 =	ssub.s32 $0x2, s2;
	s0 =	sadd.s32 s5, s0  }
0xc: {  	s22 =	sor.u32 s7, s6;
	s24 =	sshrl.u32 s2, $0x1;
	s7 =	simm.s32 $0xBA00  }
0xd: {  	s0 =	sadd.s32 s21, s0;
	s4 =	sadd.s32 s4, s22;
	s2 =	ssub.s32 s2, s24  }
0xe: {  	s21 =	simm.s32 $0x2200;
	s0 =	sadd.s32 $0xC00, s0;
	[dreg:$0x8] =	wrdreg s4  }
0xf: {  	s22 =	simm.s32 $0x2A00;
	s23 =	sadd.s32 $0x1000, s4;
	[dreg:$0x4] =	wrdreg s0  }
0x10: {  	s24 =	simm.s32 $0x3200;
	s25 =	sadd.s32 $0x2000, s4;
	[dreg:$0x5] =	wrdreg s23  }
0x11: {  	v2 =	vlaneseq.u32;
	s26 =	sadd.s32 $0x3000, s4;
	s5 =	smax.u32 s2, $0x1;
	[dreg:$0x6] =	wrdreg s25  }
0x12: {  	vm0 =	vmmov $0xffff;
	v1 =	vshrl.u32 v2, $0x3;
	s4 =	simm.s32 $0x1;
	s2 =	simm.s32 $0x7200;
	[dreg:$0x7] =	wrdreg s26  }
0x13: {  	v0 =	vand.u32 $0x7, v2;
	v2 =	vor.u32 $0x8, v2;
	v1 =	vmul.u32 $0x8, v1;
	s25 =	simm.s32 $0x3A00;
	s26 =	simm.s32 $0x4200;
	s23 =	simm.s32 $0x200  }
.LBB2_1:
0x14: {  	s18 =	rddreg [dreg:$0x4];
	s0 =	simm.s32 $0x5  }
0x15: {  	[tilespmem:s3], [sflag:$0x5] =	stream.linear.gather [hbm4b:s18+s3], $0x200, $0x38;
	[tilespmem:$0x10200] =	vst v63  }
0x16: {  	_ =	swait.ge [sflag:s0], $0x200  }
0x17: {  	[sflag:s0] =	ssyncset.done $0x0  }
0x18: {  	[sflag:s0] =	ssyncadd.s32 $0xFFFFFE00  }
0x19: {  	v3 =	vld [tilespmem:$0x0];
	_ =	sdelay $0x4  }
0x1a: {  	v4 =	vshll.u32 v3, $0x1  }
0x1b: {  	v3 =	vand.u32 $0x7, v3;
	v4 =	vand.u32 $0xFFFFFFF0, v4  }
0x1c: {  	v3 =	vor.u32 v3, v4  }
0x1d: {  	v4 =	vperm.xlane v3, v0;
	_ =	sdelay $0x1  }
0x1e: {  	v3 =	vperm.xlane v3, v2;
	v4 =	vadd.s32 v1, v4;
	_ =	sdelay $0x1  }
0x1f: {  	v3 =	vadd.s32 v1, v3;
	_ =	sdelay $0x1  }
0x20: {  	s18 =	simm.s32 $0x200  }
0x21: {  	[tilespmem:s18], [sflag:$0x1] =	stream.indirect_vreg.gather [hbm4b:s1+s3], $0x80, v4, vm0, $0xb8;
	[tilespmem:$0x10200] =	vst v63  }
0x22: {  	s18 =	simm.s32 $0xA00  }
0x23: {  	[tilespmem:s18], [sflag:$0x1] =	stream.indirect_vreg.gather [hbm4b:s1+s3], $0x80, v3, vm0, $0xb8;
	[tilespmem:$0x10200] =	vst v63  }
0x24: {  	v3 =	vld [tilespmem:$0x10];
	_ =	sdelay $0x4  }
0x25: {  	v33 =	vshll.u32 v3, $0x1  }
0x26: {  	v3 =	vand.u32 $0x7, v3;
	v4 =	vand.u32 $0xFFFFFFF0, v33  }
0x27: {  	v3 =	vor.u32 v3, v4  }
0x28: {  	v4 =	vperm.xlane v3, v0;
	_ =	sdelay $0x1  }
0x29: {  	v3 =	vperm.xlane v3, v2;
	v4 =	vadd.s32 v1, v4;
	_ =	sdelay $0x1  }
0x2a: {  	v3 =	vadd.s32 v1, v3;
	_ =	sdelay $0x2  }
0x2b: {  	[tilespmem:s19], [sflag:$0x1] =	stream.indirect_vreg.gather [hbm4b:s1+s3], $0x80, v4, vm0, $0xb8;
	[tilespmem:$0x10200] =	vst v63  }
0x2c: {  	_ = 	snop  }
0x2d: {  	[tilespmem:s20], [sflag:$0x1] =	stream.indirect_vreg.gather [hbm4b:s1+s3], $0x80, v3, vm0, $0xb8;
	[tilespmem:$0x10200] =	vst v63  }
0x2e: {  	v3 =	vld [tilespmem:$0x20];
	_ =	sdelay $0x4  }
0x2f: {  	v34 =	vshll.u32 v3, $0x1  }
0x30: {  	v3 =	vand.u32 $0x7, v3;
	v4 =	vand.u32 $0xFFFFFFF0, v34  }
0x31: {  	v3 =	vor.u32 v3, v4  }
0x32: {  	v4 =	vperm.xlane v3, v0;
	_ =	sdelay $0x1  }
0x33: {  	v3 =	vperm.xlane v3, v2;
	v4 =	vadd.s32 v1, v4;
	_ =	sdelay $0x1  }
0x34: {  	v3 =	vadd.s32 v1, v3;
	_ =	sdelay $0x2  }
0x35: {  	[tilespmem:s21], [sflag:$0x1] =	stream.indirect_vreg.gather [hbm4b:s1+s3], $0x80, v4, vm0, $0xb8;
	[tilespmem:$0x10200] =	vst v63  }
0x36: {  	_ = 	snop  }
0x37: {  	[tilespmem:s22], [sflag:$0x1] =	stream.indirect_vreg.gather [hbm4b:s1+s3], $0x80, v3, vm0, $0xb8;
	[tilespmem:$0x10200] =	vst v63  }
0x38: {  	v3 =	vld [tilespmem:$0x30];
	_ =	sdelay $0x4  }
0x39: {  	v35 =	vshll.u32 v3, $0x1  }
0x3a: {  	v3 =	vand.u32 $0x7, v3;
	v4 =	vand.u32 $0xFFFFFFF0, v35  }
0x3b: {  	v3 =	vor.u32 v3, v4  }
0x3c: {  	v4 =	vperm.xlane v3, v0;
	_ =	sdelay $0x1  }
0x3d: {  	v3 =	vperm.xlane v3, v2;
	v4 =	vadd.s32 v1, v4;
	_ =	sdelay $0x1  }
0x3e: {  	v3 =	vadd.s32 v1, v3;
	_ =	sdelay $0x2  }
0x3f: {  	[tilespmem:s24], [sflag:$0x1] =	stream.indirect_vreg.gather [hbm4b:s1+s3], $0x80, v4, vm0, $0xb8;
	[tilespmem:$0x10200] =	vst v63  }
0x40: {  	_ = 	snop  }
0x41: {  	[tilespmem:s25], [sflag:$0x1] =	stream.indirect_vreg.gather [hbm4b:s1+s3], $0x80, v3, vm0, $0xb8;
	[tilespmem:$0x10200] =	vst v63  }
0x42: {  	v3 =	vld [tilespmem:$0x40];
	_ =	sdelay $0x4  }
0x43: {  	v36 =	vshll.u32 v3, $0x1  }
0x44: {  	v3 =	vand.u32 $0x7, v3;
	v4 =	vand.u32 $0xFFFFFFF0, v36  }
0x45: {  	v3 =	vor.u32 v3, v4  }
0x46: {  	v4 =	vperm.xlane v3, v0;
	_ =	sdelay $0x1  }
0x47: {  	v3 =	vperm.xlane v3, v2;
	v4 =	vadd.s32 v1, v4;
	_ =	sdelay $0x1  }
0x48: {  	v3 =	vadd.s32 v1, v3;
	_ =	sdelay $0x2  }
0x49: {  	[tilespmem:s26], [sflag:$0x1] =	stream.indirect_vreg.gather [hbm4b:s1+s3], $0x80, v4, vm0, $0xb8;
	[tilespmem:$0x10200] =	vst v63  }
0x4a: {  	_ = 	snop  }
0x4b: {  	[tilespmem:s28], [sflag:$0x1] =	stream.indirect_vreg.gather [hbm4b:s1+s3], $0x80, v3, vm0, $0xb8;
	[tilespmem:$0x10200] =	vst v63  }
0x4c: {  	v3 =	vld [tilespmem:$0x50];
	_ =	sdelay $0x4  }
0x4d: {  	v37 =	vshll.u32 v3, $0x1  }
0x4e: {  	v3 =	vand.u32 $0x7, v3;
	v4 =	vand.u32 $0xFFFFFFF0, v37  }
0x4f: {  	v3 =	vor.u32 v3, v4  }
0x50: {  	v4 =	vperm.xlane v3, v0;
	_ =	sdelay $0x1  }
0x51: {  	v3 =	vperm.xlane v3, v2;
	v4 =	vadd.s32 v1, v4;
	_ =	sdelay $0x1  }
0x52: {  	v3 =	vadd.s32 v1, v3;
	_ =	sdelay $0x2  }
0x53: {  	[tilespmem:s29], [sflag:$0x1] =	stream.indirect_vreg.gather [hbm4b:s1+s3], $0x80, v4, vm0, $0xb8;
	[tilespmem:$0x10200] =	vst v63  }
0x54: {  	_ = 	snop  }
0x55: {  	[tilespmem:s30], [sflag:$0x1] =	stream.indirect_vreg.gather [hbm4b:s1+s3], $0x80, v3, vm0, $0xb8;
	[tilespmem:$0x10200] =	vst v63  }
0x56: {  	v3 =	vld [tilespmem:$0x60];
	_ =	sdelay $0x4  }
0x57: {  	v38 =	vshll.u32 v3, $0x1  }
0x58: {  	v3 =	vand.u32 $0x7, v3;
	v4 =	vand.u32 $0xFFFFFFF0, v38  }
0x59: {  	v3 =	vor.u32 v3, v4  }
0x5a: {  	v4 =	vperm.xlane v3, v0;
	_ =	sdelay $0x1  }
0x5b: {  	v3 =	vperm.xlane v3, v2;
	v4 =	vadd.s32 v1, v4;
	_ =	sdelay $0x1  }
0x5c: {  	v3 =	vadd.s32 v1, v3;
	_ =	sdelay $0x2  }
0x5d: {  	[tilespmem:s31], [sflag:$0x1] =	stream.indirect_vreg.gather [hbm4b:s1+s3], $0x80, v4, vm0, $0xb8;
	[tilespmem:$0x10200] =	vst v63  }
0x5e: {  	s0 =	simm.s32 $0x6A00  }
0x5f: {  	[tilespmem:s0], [sflag:$0x1] =	stream.indirect_vreg.gather [hbm4b:s1+s3], $0x80, v3, vm0, $0xb8;
	[tilespmem:$0x10200] =	vst v63  }
0x60: {  	v3 =	vld [tilespmem:$0x70];
	_ =	sdelay $0x4  }
0x61: {  	v39 =	vshll.u32 v3, $0x1  }
0x62: {  	v3 =	vand.u32 $0x7, v3;
	v4 =	vand.u32 $0xFFFFFFF0, v39  }
0x63: {  	v3 =	vor.u32 v3, v4  }
0x64: {  	v4 =	vperm.xlane v3, v0;
	_ =	sdelay $0x1  }
0x65: {  	v3 =	vperm.xlane v3, v2;
	v4 =	vadd.s32 v1, v4;
	_ =	sdelay $0x1  }
0x66: {  	v3 =	vadd.s32 v1, v3;
	_ =	sdelay $0x2  }
0x67: {  	[tilespmem:s2], [sflag:$0x1] =	stream.indirect_vreg.gather [hbm4b:s1+s3], $0x80, v4, vm0, $0xb8;
	[tilespmem:$0x10200] =	vst v63  }
0x68: {  	_ = 	snop  }
0x69: {  	[tilespmem:s8], [sflag:$0x1] =	stream.indirect_vreg.gather [hbm4b:s1+s3], $0x80, v3, vm0, $0xb8;
	[tilespmem:$0x10200] =	vst v63  }
0x6a: {  	v3 =	vld [tilespmem:$0x80];
	_ =	sdelay $0x4  }
0x6b: {  	v40 =	vshll.u32 v3, $0x1  }
0x6c: {  	v3 =	vand.u32 $0x7, v3;
	v4 =	vand.u32 $0xFFFFFFF0, v40  }
0x6d: {  	v3 =	vor.u32 v3, v4  }
0x6e: {  	v4 =	vperm.xlane v3, v0;
	_ =	sdelay $0x1  }
0x6f: {  	v3 =	vperm.xlane v3, v2;
	v4 =	vadd.s32 v1, v4;
	_ =	sdelay $0x1  }
0x70: {  	v3 =	vadd.s32 v1, v3;
	_ =	sdelay $0x2  }
0x71: {  	[tilespmem:s14], [sflag:$0x2] =	stream.indirect_vreg.gather [hbm4b:s1+s3], $0x80, v4, vm0, $0xb8;
	[tilespmem:$0x10200] =	vst v63  }
0x72: {  	_ = 	snop  }
0x73: {  	[tilespmem:s9], [sflag:$0x2] =	stream.indirect_vreg.gather [hbm4b:s1+s3], $0x80, v3, vm0, $0xb8;
	[tilespmem:$0x10200] =	vst v63  }
0x74: {  	v3 =	vld [tilespmem:$0x90];
	_ =	sdelay $0x4  }
0x75: {  	v41 =	vshll.u32 v3, $0x1  }
0x76: {  	v3 =	vand.u32 $0x7, v3;
	v4 =	vand.u32 $0xFFFFFFF0, v41  }
0x77: {  	v3 =	vor.u32 v3, v4  }
0x78: {  	v4 =	vperm.xlane v3, v0;
	_ =	sdelay $0x1  }
0x79: {  	v3 =	vperm.xlane v3, v2;
	v4 =	vadd.s32 v1, v4;
	_ =	sdelay $0x1  }
0x7a: {  	v3 =	vadd.s32 v1, v3;
	_ =	sdelay $0x2  }
0x7b: {  	[tilespmem:s10], [sflag:$0x2] =	stream.indirect_vreg.gather [hbm4b:s1+s3], $0x80, v4, vm0, $0xb8;
	[tilespmem:$0x10200] =	vst v63  }
0x7c: {  	_ = 	snop  }
0x7d: {  	[tilespmem:s11], [sflag:$0x2] =	stream.indirect_vreg.gather [hbm4b:s1+s3], $0x80, v3, vm0, $0xb8;
	[tilespmem:$0x10200] =	vst v63  }
0x7e: {  	v3 =	vld [tilespmem:$0xA0];
	_ =	sdelay $0x4  }
0x7f: {  	v42 =	vshll.u32 v3, $0x1  }
0x80: {  	v3 =	vand.u32 $0x7, v3;
	v4 =	vand.u32 $0xFFFFFFF0, v42  }
0x81: {  	v3 =	vor.u32 v3, v4  }
0x82: {  	v4 =	vperm.xlane v3, v0;
	_ =	sdelay $0x1  }
0x83: {  	v3 =	vperm.xlane v3, v2;
	v4 =	vadd.s32 v1, v4;
	_ =	sdelay $0x1  }
0x84: {  	v3 =	vadd.s32 v1, v3;
	_ =	sdelay $0x1  }
0x85: {  	s6 =	simm.s32 $0xA200  }
0x86: {  	[tilespmem:s6], [sflag:$0x2] =	stream.indirect_vreg.gather [hbm4b:s1+s3], $0x80, v4, vm0, $0xb8;
	[tilespmem:$0x10200] =	vst v63  }
0x87: {  	_ = 	snop  }
0x88: {  	[tilespmem:s13], [sflag:$0x2] =	stream.indirect_vreg.gather [hbm4b:s1+s3], $0x80, v3, vm0, $0xb8;
	[tilespmem:$0x10200] =	vst v63  }
0x89: {  	v3 =	vld [tilespmem:$0xB0];
	_ =	sdelay $0x4  }
0x8a: {  	v43 =	vshll.u32 v3, $0x1  }
0x8b: {  	v3 =	vand.u32 $0x7, v3;
	v4 =	vand.u32 $0xFFFFFFF0, v43  }
0x8c: {  	v3 =	vor.u32 v3, v4  }
0x8d: {  	v4 =	vperm.xlane v3, v0;
	_ =	sdelay $0x1  }
0x8e: {  	v3 =	vperm.xlane v3, v2;
	v4 =	vadd.s32 v1, v4;
	_ =	sdelay $0x1  }
0x8f: {  	v3 =	vadd.s32 v1, v3;
	_ =	sdelay $0x1  }
0x90: {  	s6 =	simm.s32 $0xB200  }
0x91: {  	[tilespmem:s6], [sflag:$0x2] =	stream.indirect_vreg.gather [hbm4b:s1+s3], $0x80, v4, vm0, $0xb8;
	[tilespmem:$0x10200] =	vst v63  }
0x92: {  	_ = 	snop  }
0x93: {  	[tilespmem:s7], [sflag:$0x2] =	stream.indirect_vreg.gather [hbm4b:s1+s3], $0x80, v3, vm0, $0xb8;
	[tilespmem:$0x10200] =	vst v63  }
0x94: {  	v3 =	vld [tilespmem:$0xC0];
	_ =	sdelay $0x4  }
0x95: {  	v44 =	vshll.u32 v3, $0x1  }
0x96: {  	v3 =	vand.u32 $0x7, v3;
	v4 =	vand.u32 $0xFFFFFFF0, v44  }
0x97: {  	v3 =	vor.u32 v3, v4  }
0x98: {  	v4 =	vperm.xlane v3, v0;
	_ =	sdelay $0x1  }
0x99: {  	v3 =	vperm.xlane v3, v2;
	v4 =	vadd.s32 v1, v4;
	_ =	sdelay $0x1  }
0x9a: {  	v3 =	vadd.s32 v1, v3;
	_ =	sdelay $0x1  }
0x9b: {  	s12 =	simm.s32 $0xC200  }
0x9c: {  	[tilespmem:s12], [sflag:$0x2] =	stream.indirect_vreg.gather [hbm4b:s1+s3], $0x80, v4, vm0, $0xb8;
	[tilespmem:$0x10200] =	vst v63  }
0x9d: {  	s12 =	simm.s32 $0xCA00  }
0x9e: {  	[tilespmem:s12], [sflag:$0x2] =	stream.indirect_vreg.gather [hbm4b:s1+s3], $0x80, v3, vm0, $0xb8;
	[tilespmem:$0x10200] =	vst v63  }
0x9f: {  	v3 =	vld [tilespmem:$0xD0];
	_ =	sdelay $0x4  }
0xa0: {  	v45 =	vshll.u32 v3, $0x1  }
0xa1: {  	v3 =	vand.u32 $0x7, v3;
	v4 =	vand.u32 $0xFFFFFFF0, v45  }
0xa2: {  	v3 =	vor.u32 v3, v4  }
0xa3: {  	v4 =	vperm.xlane v3, v0;
	_ =	sdelay $0x1  }
0xa4: {  	v3 =	vperm.xlane v3, v2;
	v4 =	vadd.s32 v1, v4;
	_ =	sdelay $0x1  }
0xa5: {  	v3 =	vadd.s32 v1, v3;
	_ =	sdelay $0x1  }
0xa6: {  	s12 =	simm.s32 $0xD200  }
0xa7: {  	[tilespmem:s12], [sflag:$0x2] =	stream.indirect_vreg.gather [hbm4b:s1+s3], $0x80, v4, vm0, $0xb8;
	[tilespmem:$0x10200] =	vst v63  }
0xa8: {  	s12 =	simm.s32 $0xDA00  }
0xa9: {  	[tilespmem:s12], [sflag:$0x2] =	stream.indirect_vreg.gather [hbm4b:s1+s3], $0x80, v3, vm0, $0xb8;
	[tilespmem:$0x10200] =	vst v63  }
0xaa: {  	v3 =	vld [tilespmem:$0xE0];
	_ =	sdelay $0x4  }
0xab: {  	v46 =	vshll.u32 v3, $0x1  }
0xac: {  	v3 =	vand.u32 $0x7, v3;
	v4 =	vand.u32 $0xFFFFFFF0, v46  }
0xad: {  	v3 =	vor.u32 v3, v4  }
0xae: {  	v4 =	vperm.xlane v3, v0;
	_ =	sdelay $0x1  }
0xaf: {  	v3 =	vperm.xlane v3, v2;
	v4 =	vadd.s32 v1, v4;
	_ =	sdelay $0x1  }
0xb0: {  	v3 =	vadd.s32 v1, v3;
	_ =	sdelay $0x1  }
0xb1: {  	s12 =	simm.s32 $0xE200  }
0xb2: {  	[tilespmem:s12], [sflag:$0x2] =	stream.indirect_vreg.gather [hbm4b:s1+s3], $0x80, v4, vm0, $0xb8;
	[tilespmem:$0x10200] =	vst v63  }
0xb3: {  	s12 =	simm.s32 $0xEA00  }
0xb4: {  	[tilespmem:s12], [sflag:$0x2] =	stream.indirect_vreg.gather [hbm4b:s1+s3], $0x80, v3, vm0, $0xb8;
	[tilespmem:$0x10200] =	vst v63  }
0xb5: {  	v3 =	vld [tilespmem:$0xF0];
	_ =	sdelay $0x4  }
0xb6: {  	v47 =	vshll.u32 v3, $0x1  }
0xb7: {  	v3 =	vand.u32 $0x7, v3;
	v4 =	vand.u32 $0xFFFFFFF0, v47  }
0xb8: {  	v3 =	vor.u32 v3, v4  }
0xb9: {  	v4 =	vperm.xlane v3, v0;
	_ =	sdelay $0x1  }
0xba: {  	v3 =	vperm.xlane v3, v2;
	v4 =	vadd.s32 v1, v4;
	_ =	sdelay $0x1  }
0xbb: {  	v3 =	vadd.s32 v1, v3;
	_ =	sdelay $0x1  }
0xbc: {  	s12 =	simm.s32 $0xF200  }
0xbd: {  	[tilespmem:s12], [sflag:$0x2] =	stream.indirect_vreg.gather [hbm4b:s1+s3], $0x80, v4, vm0, $0xb8;
	[tilespmem:$0x10200] =	vst v63  }
0xbe: {  	s12 =	simm.s32 $0xFA00  }
0xbf: {  	[tilespmem:s12], [sflag:$0x2] =	stream.indirect_vreg.gather [hbm4b:s1+s3], $0x80, v3, vm0, $0xb8;
	[tilespmem:$0x10200] =	vst v63  }
0xc0: {  	_ =	swait.ge [sflag:s4], $0x8000  }
0xc1: {  	[sflag:s4] =	ssyncset.done $0x0  }
0xc2: {  	s12 =	rddreg [dreg:$0x8];
	[sflag:s4] =	ssyncadd.s32 $0xFFFF8000  }
0xc3: {  	[hbm4b:s12+s3] =	stream.linear.scatter [tilespmem:s23], [sflag:$0x3], $0x8000, $0x38;
	[tilespmem:$0x10200] =	vst v63  }
0xc4: {  	_ =	swait.ge [sflag:s15], $0x8000  }
0xc5: {  	[sflag:s15] =	ssyncset.done $0x0  }
0xc6: {  	[sflag:s15] =	ssyncadd.s32 $0xFFFF8000  }
0xc7: {  	v3 =	vld [tilespmem:$0x100];
	_ =	sdelay $0x4  }
0xc8: {  	v48 =	vshll.u32 v3, $0x1  }
0xc9: {  	v3 =	vand.u32 $0x7, v3;
	v4 =	vand.u32 $0xFFFFFFF0, v48  }
0xca: {  	v3 =	vor.u32 v3, v4  }
0xcb: {  	v4 =	vperm.xlane v3, v0;
	_ =	sdelay $0x1  }
0xcc: {  	v3 =	vperm.xlane v3, v2;
	v4 =	vadd.s32 v1, v4;
	_ =	sdelay $0x1  }
0xcd: {  	v3 =	vadd.s32 v1, v3;
	_ =	sdelay $0x2  }
0xce: {  	[tilespmem:s23], [sflag:$0x1] =	stream.indirect_vreg.gather [hbm4b:s1+s3], $0x80, v4, vm0, $0xb8;
	[tilespmem:$0x10200] =	vst v63  }
0xcf: {  	_ = 	snop  }
0xd0: {  	[tilespmem:s18], [sflag:$0x1] =	stream.indirect_vreg.gather [hbm4b:s1+s3], $0x80, v3, vm0, $0xb8;
	[tilespmem:$0x10200] =	vst v63  }
0xd1: {  	v3 =	vld [tilespmem:$0x110];
	_ =	sdelay $0x4  }
0xd2: {  	v49 =	vshll.u32 v3, $0x1  }
0xd3: {  	v3 =	vand.u32 $0x7, v3;
	v4 =	vand.u32 $0xFFFFFFF0, v49  }
0xd4: {  	v3 =	vor.u32 v3, v4  }
0xd5: {  	v4 =	vperm.xlane v3, v0;
	_ =	sdelay $0x1  }
0xd6: {  	v3 =	vperm.xlane v3, v2;
	v4 =	vadd.s32 v1, v4;
	_ =	sdelay $0x1  }
0xd7: {  	v3 =	vadd.s32 v1, v3;
	_ =	sdelay $0x2  }
0xd8: {  	[tilespmem:s19], [sflag:$0x1] =	stream.indirect_vreg.gather [hbm4b:s1+s3], $0x80, v4, vm0, $0xb8;
	[tilespmem:$0x10200] =	vst v63  }
0xd9: {  	_ = 	snop  }
0xda: {  	[tilespmem:s20], [sflag:$0x1] =	stream.indirect_vreg.gather [hbm4b:s1+s3], $0x80, v3, vm0, $0xb8;
	[tilespmem:$0x10200] =	vst v63  }
0xdb: {  	v3 =	vld [tilespmem:$0x120];
	_ =	sdelay $0x4  }
0xdc: {  	v50 =	vshll.u32 v3, $0x1  }
0xdd: {  	v3 =	vand.u32 $0x7, v3;
	v4 =	vand.u32 $0xFFFFFFF0, v50  }
0xde: {  	v3 =	vor.u32 v3, v4  }
0xdf: {  	v4 =	vperm.xlane v3, v0;
	_ =	sdelay $0x1  }
0xe0: {  	v3 =	vperm.xlane v3, v2;
	v4 =	vadd.s32 v1, v4;
	_ =	sdelay $0x1  }
0xe1: {  	v3 =	vadd.s32 v1, v3;
	_ =	sdelay $0x2  }
0xe2: {  	[tilespmem:s21], [sflag:$0x1] =	stream.indirect_vreg.gather [hbm4b:s1+s3], $0x80, v4, vm0, $0xb8;
	[tilespmem:$0x10200] =	vst v63  }
0xe3: {  	_ = 	snop  }
0xe4: {  	[tilespmem:s22], [sflag:$0x1] =	stream.indirect_vreg.gather [hbm4b:s1+s3], $0x80, v3, vm0, $0xb8;
	[tilespmem:$0x10200] =	vst v63  }
0xe5: {  	v3 =	vld [tilespmem:$0x130];
	_ =	sdelay $0x4  }
0xe6: {  	v51 =	vshll.u32 v3, $0x1  }
0xe7: {  	v3 =	vand.u32 $0x7, v3;
	v4 =	vand.u32 $0xFFFFFFF0, v51  }
0xe8: {  	v3 =	vor.u32 v3, v4  }
0xe9: {  	v4 =	vperm.xlane v3, v0;
	_ =	sdelay $0x1  }
0xea: {  	v3 =	vperm.xlane v3, v2;
	v4 =	vadd.s32 v1, v4;
	_ =	sdelay $0x1  }
0xeb: {  	v3 =	vadd.s32 v1, v3;
	_ =	sdelay $0x2  }
0xec: {  	[tilespmem:s24], [sflag:$0x1] =	stream.indirect_vreg.gather [hbm4b:s1+s3], $0x80, v4, vm0, $0xb8;
	[tilespmem:$0x10200] =	vst v63  }
0xed: {  	_ = 	snop  }
0xee: {  	[tilespmem:s25], [sflag:$0x1] =	stream.indirect_vreg.gather [hbm4b:s1+s3], $0x80, v3, vm0, $0xb8;
	[tilespmem:$0x10200] =	vst v63  }
0xef: {  	v3 =	vld [tilespmem:$0x140];
	_ =	sdelay $0x4  }
0xf0: {  	v52 =	vshll.u32 v3, $0x1  }
0xf1: {  	v3 =	vand.u32 $0x7, v3;
	v4 =	vand.u32 $0xFFFFFFF0, v52  }
0xf2: {  	v3 =	vor.u32 v3, v4  }
0xf3: {  	v4 =	vperm.xlane v3, v0;
	_ =	sdelay $0x1  }
0xf4: {  	v3 =	vperm.xlane v3, v2;
	v4 =	vadd.s32 v1, v4;
	_ =	sdelay $0x1  }
0xf5: {  	v3 =	vadd.s32 v1, v3;
	_ =	sdelay $0x2  }
0xf6: {  	[tilespmem:s26], [sflag:$0x1] =	stream.indirect_vreg.gather [hbm4b:s1+s3], $0x80, v4, vm0, $0xb8;
	[tilespmem:$0x10200] =	vst v63  }
0xf7: {  	_ = 	snop  }
0xf8: {  	[tilespmem:s28], [sflag:$0x1] =	stream.indirect_vreg.gather [hbm4b:s1+s3], $0x80, v3, vm0, $0xb8;
	[tilespmem:$0x10200] =	vst v63  }
0xf9: {  	v3 =	vld [tilespmem:$0x150];
	_ =	sdelay $0x4  }
0xfa: {  	v53 =	vshll.u32 v3, $0x1  }
0xfb: {  	v3 =	vand.u32 $0x7, v3;
	v4 =	vand.u32 $0xFFFFFFF0, v53  }
0xfc: {  	v3 =	vor.u32 v3, v4  }
0xfd: {  	v4 =	vperm.xlane v3, v0;
	_ =	sdelay $0x1  }
0xfe: {  	v3 =	vperm.xlane v3, v2;
	v4 =	vadd.s32 v1, v4;
	_ =	sdelay $0x1  }
0xff: {  	v3 =	vadd.s32 v1, v3;
	_ =	sdelay $0x2  }
0x100: {  	[tilespmem:s29], [sflag:$0x1] =	stream.indirect_vreg.gather [hbm4b:s1+s3], $0x80, v4, vm0, $0xb8;
	[tilespmem:$0x10200] =	vst v63  }
0x101: {  	_ = 	snop  }
0x102: {  	[tilespmem:s30], [sflag:$0x1] =	stream.indirect_vreg.gather [hbm4b:s1+s3], $0x80, v3, vm0, $0xb8;
	[tilespmem:$0x10200] =	vst v63  }
0x103: {  	v3 =	vld [tilespmem:$0x160];
	_ =	sdelay $0x4  }
0x104: {  	v54 =	vshll.u32 v3, $0x1  }
0x105: {  	v3 =	vand.u32 $0x7, v3;
	v4 =	vand.u32 $0xFFFFFFF0, v54  }
0x106: {  	v3 =	vor.u32 v3, v4  }
0x107: {  	v4 =	vperm.xlane v3, v0;
	_ =	sdelay $0x1  }
0x108: {  	v3 =	vperm.xlane v3, v2;
	v4 =	vadd.s32 v1, v4;
	_ =	sdelay $0x1  }
0x109: {  	v3 =	vadd.s32 v1, v3;
	_ =	sdelay $0x2  }
0x10a: {  	[tilespmem:s31], [sflag:$0x1] =	stream.indirect_vreg.gather [hbm4b:s1+s3], $0x80, v4, vm0, $0xb8;
	[tilespmem:$0x10200] =	vst v63  }
0x10b: {  	_ = 	snop  }
0x10c: {  	[tilespmem:s0], [sflag:$0x1] =	stream.indirect_vreg.gather [hbm4b:s1+s3], $0x80, v3, vm0, $0xb8;
	[tilespmem:$0x10200] =	vst v63  }
0x10d: {  	v3 =	vld [tilespmem:$0x170];
	_ =	sdelay $0x4  }
0x10e: {  	v55 =	vshll.u32 v3, $0x1  }
0x10f: {  	v3 =	vand.u32 $0x7, v3;
	v4 =	vand.u32 $0xFFFFFFF0, v55  }
0x110: {  	v3 =	vor.u32 v3, v4  }
0x111: {  	v4 =	vperm.xlane v3, v0;
	_ =	sdelay $0x1  }
0x112: {  	v3 =	vperm.xlane v3, v2;
	v4 =	vadd.s32 v1, v4;
	_ =	sdelay $0x1  }
0x113: {  	v3 =	vadd.s32 v1, v3;
	_ =	sdelay $0x2  }
0x114: {  	[tilespmem:s2], [sflag:$0x1] =	stream.indirect_vreg.gather [hbm4b:s1+s3], $0x80, v4, vm0, $0xb8;
	[tilespmem:$0x10200] =	vst v63  }
0x115: {  	_ = 	snop  }
0x116: {  	[tilespmem:s8], [sflag:$0x1] =	stream.indirect_vreg.gather [hbm4b:s1+s3], $0x80, v3, vm0, $0xb8;
	[tilespmem:$0x10200] =	vst v63  }
0x117: {  	_ =	swait.ge [sflag:s16], $0x8000  }
0x118: {  	[sflag:s16] =	ssyncset.done $0x0  }
0x119: {  	s0 =	rddreg [dreg:$0x5];
	[sflag:s16] =	ssyncadd.s32 $0xFFFF8000  }
0x11a: {  	[hbm4b:s0+s3] =	stream.linear.scatter [tilespmem:s14], [sflag:$0x4], $0x8000, $0x38;
	[tilespmem:$0x10200] =	vst v63  }
0x11b: {  	_ =	swait.ge [sflag:s17], $0x8000  }
0x11c: {  	[sflag:s17] =	ssyncset.done $0x0  }
0x11d: {  	[sflag:s17] =	ssyncadd.s32 $0xFFFF8000  }
0x11e: {  	v3 =	vld [tilespmem:$0x180];
	_ =	sdelay $0x4  }
0x11f: {  	v56 =	vshll.u32 v3, $0x1  }
0x120: {  	v3 =	vand.u32 $0x7, v3;
	v4 =	vand.u32 $0xFFFFFFF0, v56  }
0x121: {  	v3 =	vor.u32 v3, v4  }
0x122: {  	v4 =	vperm.xlane v3, v0;
	_ =	sdelay $0x1  }
0x123: {  	v3 =	vperm.xlane v3, v2;
	v4 =	vadd.s32 v1, v4;
	_ =	sdelay $0x1  }
0x124: {  	v3 =	vadd.s32 v1, v3;
	_ =	sdelay $0x2  }
0x125: {  	[tilespmem:s14], [sflag:$0x2] =	stream.indirect_vreg.gather [hbm4b:s1+s3], $0x80, v4, vm0, $0xb8;
	[tilespmem:$0x10200] =	vst v63  }
0x126: {  	_ = 	snop  }
0x127: {  	[tilespmem:s9], [sflag:$0x2] =	stream.indirect_vreg.gather [hbm4b:s1+s3], $0x80, v3, vm0, $0xb8;
	[tilespmem:$0x10200] =	vst v63  }
0x128: {  	v3 =	vld [tilespmem:$0x190];
	_ =	sdelay $0x4  }
0x129: {  	v57 =	vshll.u32 v3, $0x1  }
0x12a: {  	v3 =	vand.u32 $0x7, v3;
	v4 =	vand.u32 $0xFFFFFFF0, v57  }
0x12b: {  	v3 =	vor.u32 v3, v4  }
0x12c: {  	v4 =	vperm.xlane v3, v0;
	_ =	sdelay $0x1  }
0x12d: {  	v3 =	vperm.xlane v3, v2;
	v4 =	vadd.s32 v1, v4;
	_ =	sdelay $0x1  }
0x12e: {  	v3 =	vadd.s32 v1, v3;
	_ =	sdelay $0x2  }
0x12f: {  	[tilespmem:s10], [sflag:$0x2] =	stream.indirect_vreg.gather [hbm4b:s1+s3], $0x80, v4, vm0, $0xb8;
	[tilespmem:$0x10200] =	vst v63  }
0x130: {  	_ = 	snop  }
0x131: {  	[tilespmem:s11], [sflag:$0x2] =	stream.indirect_vreg.gather [hbm4b:s1+s3], $0x80, v3, vm0, $0xb8;
	[tilespmem:$0x10200] =	vst v63  }
0x132: {  	v3 =	vld [tilespmem:$0x1A0];
	_ =	sdelay $0x4  }
0x133: {  	v58 =	vshll.u32 v3, $0x1  }
0x134: {  	v3 =	vand.u32 $0x7, v3;
	v4 =	vand.u32 $0xFFFFFFF0, v58  }
0x135: {  	v3 =	vor.u32 v3, v4  }
0x136: {  	v4 =	vperm.xlane v3, v0;
	_ =	sdelay $0x1  }
0x137: {  	v3 =	vperm.xlane v3, v2;
	v4 =	vadd.s32 v1, v4;
	_ =	sdelay $0x1  }
0x138: {  	v3 =	vadd.s32 v1, v3;
	_ =	sdelay $0x1  }
0x139: {  	s18 =	simm.s32 $0xA200  }
0x13a: {  	[tilespmem:s18], [sflag:$0x2] =	stream.indirect_vreg.gather [hbm4b:s1+s3], $0x80, v4, vm0, $0xb8;
	[tilespmem:$0x10200] =	vst v63  }
0x13b: {  	_ = 	snop  }
0x13c: {  	[tilespmem:s13], [sflag:$0x2] =	stream.indirect_vreg.gather [hbm4b:s1+s3], $0x80, v3, vm0, $0xb8;
	[tilespmem:$0x10200] =	vst v63  }
0x13d: {  	v3 =	vld [tilespmem:$0x1B0];
	_ =	sdelay $0x4  }
0x13e: {  	v59 =	vshll.u32 v3, $0x1  }
0x13f: {  	v3 =	vand.u32 $0x7, v3;
	v4 =	vand.u32 $0xFFFFFFF0, v59  }
0x140: {  	v3 =	vor.u32 v3, v4  }
0x141: {  	v4 =	vperm.xlane v3, v0;
	_ =	sdelay $0x1  }
0x142: {  	v3 =	vperm.xlane v3, v2;
	v4 =	vadd.s32 v1, v4;
	_ =	sdelay $0x1  }
0x143: {  	v3 =	vadd.s32 v1, v3;
	_ =	sdelay $0x2  }
0x144: {  	[tilespmem:s6], [sflag:$0x2] =	stream.indirect_vreg.gather [hbm4b:s1+s3], $0x80, v4, vm0, $0xb8;
	[tilespmem:$0x10200] =	vst v63  }
0x145: {  	_ = 	snop  }
0x146: {  	[tilespmem:s7], [sflag:$0x2] =	stream.indirect_vreg.gather [hbm4b:s1+s3], $0x80, v3, vm0, $0xb8;
	[tilespmem:$0x10200] =	vst v63  }
0x147: {  	v3 =	vld [tilespmem:$0x1C0];
	_ =	sdelay $0x4  }
0x148: {  	v60 =	vshll.u32 v3, $0x1  }
0x149: {  	v3 =	vand.u32 $0x7, v3;
	v4 =	vand.u32 $0xFFFFFFF0, v60  }
0x14a: {  	v3 =	vor.u32 v3, v4  }
0x14b: {  	v4 =	vperm.xlane v3, v0;
	_ =	sdelay $0x1  }
0x14c: {  	v3 =	vperm.xlane v3, v2;
	v4 =	vadd.s32 v1, v4;
	_ =	sdelay $0x1  }
0x14d: {  	v3 =	vadd.s32 v1, v3;
	_ =	sdelay $0x1  }
0x14e: {  	s6 =	simm.s32 $0xC200  }
0x14f: {  	[tilespmem:s6], [sflag:$0x2] =	stream.indirect_vreg.gather [hbm4b:s1+s3], $0x80, v4, vm0, $0xb8;
	[tilespmem:$0x10200] =	vst v63  }
0x150: {  	s18 =	simm.s32 $0xCA00  }
0x151: {  	[tilespmem:s18], [sflag:$0x2] =	stream.indirect_vreg.gather [hbm4b:s1+s3], $0x80, v3, vm0, $0xb8;
	[tilespmem:$0x10200] =	vst v63  }
0x152: {  	v3 =	vld [tilespmem:$0x1D0];
	_ =	sdelay $0x4  }
0x153: {  	v61 =	vshll.u32 v3, $0x1  }
0x154: {  	v3 =	vand.u32 $0x7, v3;
	v4 =	vand.u32 $0xFFFFFFF0, v61  }
0x155: {  	v3 =	vor.u32 v3, v4  }
0x156: {  	v4 =	vperm.xlane v3, v0;
	_ =	sdelay $0x1  }
0x157: {  	v3 =	vperm.xlane v3, v2;
	v4 =	vadd.s32 v1, v4;
	_ =	sdelay $0x1  }
0x158: {  	v3 =	vadd.s32 v1, v3;
	_ =	sdelay $0x1  }
0x159: {  	s6 =	simm.s32 $0xD200  }
0x15a: {  	[tilespmem:s6], [sflag:$0x2] =	stream.indirect_vreg.gather [hbm4b:s1+s3], $0x80, v4, vm0, $0xb8;
	[tilespmem:$0x10200] =	vst v63  }
0x15b: {  	s18 =	simm.s32 $0xDA00  }
0x15c: {  	[tilespmem:s18], [sflag:$0x2] =	stream.indirect_vreg.gather [hbm4b:s1+s3], $0x80, v3, vm0, $0xb8;
	[tilespmem:$0x10200] =	vst v63  }
0x15d: {  	v3 =	vld [tilespmem:$0x1E0];
	_ =	sdelay $0x4  }
0x15e: {  	v62 =	vshll.u32 v3, $0x1  }
0x15f: {  	v3 =	vand.u32 $0x7, v3;
	v4 =	vand.u32 $0xFFFFFFF0, v62  }
0x160: {  	v3 =	vor.u32 v3, v4  }
0x161: {  	v4 =	vperm.xlane v3, v0;
	_ =	sdelay $0x1  }
0x162: {  	v3 =	vperm.xlane v3, v2;
	v4 =	vadd.s32 v1, v4;
	_ =	sdelay $0x1  }
0x163: {  	v3 =	vadd.s32 v1, v3;
	_ =	sdelay $0x1  }
0x164: {  	s6 =	simm.s32 $0xE200  }
0x165: {  	[tilespmem:s6], [sflag:$0x2] =	stream.indirect_vreg.gather [hbm4b:s1+s3], $0x80, v4, vm0, $0xb8;
	[tilespmem:$0x10200] =	vst v63  }
0x166: {  	s18 =	simm.s32 $0xEA00  }
0x167: {  	[tilespmem:s18], [sflag:$0x2] =	stream.indirect_vreg.gather [hbm4b:s1+s3], $0x80, v3, vm0, $0xb8;
	[tilespmem:$0x10200] =	vst v63  }
0x168: {  	v3 =	vld [tilespmem:$0x1F0];
	_ =	sdelay $0x4  }
0x169: {  	v63 =	vshll.u32 v3, $0x1  }
0x16a: {  	v3 =	vand.u32 $0x7, v3;
	v4 =	vand.u32 $0xFFFFFFF0, v63  }
0x16b: {  	v3 =	vor.u32 v3, v4  }
0x16c: {  	v4 =	vperm.xlane v3, v0;
	_ =	sdelay $0x1  }
0x16d: {  	v3 =	vperm.xlane v3, v2;
	v4 =	vadd.s32 v1, v4;
	_ =	sdelay $0x1  }
0x16e: {  	v3 =	vadd.s32 v1, v3;
	_ =	sdelay $0x1  }
0x16f: {  	s6 =	simm.s32 $0xF200  }
0x170: {  	[tilespmem:s6], [sflag:$0x2] =	stream.indirect_vreg.gather [hbm4b:s1+s3], $0x80, v4, vm0, $0xb8;
	[tilespmem:$0x10200] =	vst v63  }
0x171: {  	s18 =	simm.s32 $0xFA00  }
0x172: {  	[tilespmem:s18], [sflag:$0x2] =	stream.indirect_vreg.gather [hbm4b:s1+s3], $0x80, v3, vm0, $0xb8;
	[tilespmem:$0x10200] =	vst v63  }
0x173: {  	_ =	swait.ge [sflag:s4], $0x8000  }
0x174: {  	[sflag:s4] =	ssyncset.done $0x0  }
0x175: {  	s12 =	simm.s32 $0x200;
	s6 =	rddreg [dreg:$0x6];
	[sflag:s4] =	ssyncadd.s32 $0xFFFF8000  }
0x176: {  	[hbm4b:s6+s3] =	stream.linear.scatter [tilespmem:s12], [sflag:$0x3], $0x8000, $0x38;
	[tilespmem:$0x10200] =	vst v63  }
0x177: {  	_ =	swait.ge [sflag:s16], $0x8000  }
0x178: {  	[sflag:s16] =	ssyncset.done $0x0  }
0x179: {  	s12 =	rddreg [dreg:$0x7];
	[sflag:s16] =	ssyncadd.s32 $0xFFFF8000  }
0x17a: {  	[hbm4b:s12+s3] =	stream.linear.scatter [tilespmem:s14], [sflag:$0x4], $0x8000, $0x38;
	[tilespmem:$0x10200] =	vst v63  }
0x17b: {  	p0 =	sne.s32 s5, $0x1;
	_ =	swait.ge [sflag:s15], $0x8000  }
.Ltmp0:
0x17c: {  	[sflag:s15] =	ssyncset.done $0x0;
	(pc) =	sbr.rel @p0 .LBB2_1-.Ltmp0, $4  }
0x17d: {  	[sflag:s15] =	ssyncadd.s32 $0xFFFF8000  }
0x17e: {  	_ =	swait.ge [sflag:s17], $0x8000  }
0x17f: {  	[sflag:s17] =	ssyncset.done $0x0  }
0x180: {  	s5 =	sadd.s32 $0xFFFFFFFF, s5;
	[sflag:s17] =	ssyncadd.s32 $0xFFFF8000  }
0x181: {  	_ =	sfence.sel $0x180000  }
0x182: {  	[bflag:$0x0] =	sbarrier.arrive $0xFFFF  }
0x183: {  	_ =	strace $0x90000047  }
0x184: {  	s0 =	stileid.u32;
	[bflag:$0x2] =	sbarrier.arrive $0xFFFF  }
0x185: {  	p0 =	sne.s32 s0, $0x0;
	s0 =	rddreg [dreg:$0x3]  }
0x186: {  	s0 =	sadd.s32 @!p0 $0x100000, s0  }
0x187: {  	[sflag:s0] =	ssyncadd.tile.s32 @!p0 $0x1;
	_ =	shalt  }
.Lfunc_end2:
_tile_overlayer_lowered:
.L_overlay_start_2:
0x188: {  	(tag) =	ssettag $0x2  }
0x189: {  	s0 =	rddreg [dreg:$0x0];
	s2 =	stileid.u32  }
0x18a: {  	s1 =	rddreg [dreg:$0x1];
	p0 =	sne.s32 s2, $0x0  }
0x18b: {  	s3 =	rddreg [dreg:$0x2];
	[bflag:$0x3] =	sbarrier.arrive $0xFFFF;
	s2 =	simm.s32 @!p0 $0x1C05  }
0x18c: {  	[timem:s3], [sflag:s2] =	dma.local @!p0 [hbm:s0], s1  }
0x18d: {  	s0 =	simm.s32 @!p0 $0x5  }
0x18e: {  	_ =	swait.ge @!p0 [sflag:s0], s1  }
0x18f: {  	s1 =	ssub.s32 @!p0 $0x0, s1;
	[sflag:s0] =	ssyncset.done @!p0 $0x0  }
0x190: {  	[sflag:s0] =	ssyncadd.s32 @!p0 s1  }
0x191: {  	[bflag:$0x3] =	sbarrier.arrive $0xFFFF  }
0x192: {  	_ =	shalt  }

</sc_bundles>
